<compile_context>
chip_gen: v7x
topology: tpu7x:2x2x1
jax: 0.10.2.dev20260603
libtpu: 0.0.44.dev20260713+nightly
codegen_flags: <defaults>
</compile_context>

<pallas_src>
import jax
import jax.numpy as jnp
from jax import lax
from jax.experimental import pallas as pl
from jax.experimental.pallas import tpu as pltpu
from jax.experimental.pallas import tpu_sc as plsc

_NUM_CORES = 2
_NUM_SUBCORES = 16
_NUM_WORKERS = _NUM_CORES * _NUM_SUBCORES
_DEPTH = 10


def kernel(x, weight):
    b, h = x.shape
    n = b * h
    dim = weight.shape[1]
    cols = b // _NUM_WORKERS
    half = cols // 2
    n_chunks = 2 * h
    idx2 = x.T

    mesh = plsc.VectorSubcoreMesh(core_axis_name="c", subcore_axis_name="s")

    @pl.kernel(
        out_type=jax.ShapeDtypeStruct((n, dim), weight.dtype),
        mesh=mesh,
        scratch_types=[pltpu.VMEM((h, cols), jnp.int32)]
        + [pltpu.VMEM((half, dim), jnp.float32)] * _DEPTH
        + [pltpu.SemaphoreType.DMA] * (2 * _DEPTH),
    )
    def gather_kernel(w_hbm, i_hbm, o_hbm, idx_v, *bufs_sems):
        bufs = bufs_sems[:_DEPTH]
        semg = bufs_sems[_DEPTH : 2 * _DEPTH]
        semw = bufs_sems[2 * _DEPTH :]
        wid = lax.axis_index("s") * _NUM_CORES + lax.axis_index("c")
        col0 = wid * cols
        pltpu.sync_copy(i_hbm.at[:, pl.ds(col0, cols)], idx_v)

        def gather_start(c, k):
            r = c // 2
            s = (c % 2) * half
            pltpu.async_copy(
                w_hbm.at[idx_v.at[r, pl.ds(s, half)]], bufs[k], semg[k]
            )

        def gather_wait(c, k):
            r = c // 2
            s = (c % 2) * half
            pltpu.make_async_copy(
                w_hbm.at[idx_v.at[r, pl.ds(s, half)]], bufs[k], semg[k]
            ).wait()

        def wb_start(c, k):
            r = c // 2
            s = (c % 2) * half
            pltpu.async_copy(
                bufs[k], o_hbm.at[pl.ds(r * b + col0 + s, half)], semw[k]
            )

        def wb_drain(c, k):
            r = c // 2
            s = (c % 2) * half
            pltpu.make_async_copy(
                bufs[k], o_hbm.at[pl.ds(r * b + col0 + s, half)], semw[k]
            ).wait()

        for k in range(_DEPTH):
            gather_start(k, k)

        @pl.loop(0, n_chunks, step=_DEPTH)
        def _(c):
            for k in range(_DEPTH):
                gather_wait(c + k, k)
                wb_start(c + k, k)
                wb_drain(c + k, k)

                @pl.when(c + k + _DEPTH < n_chunks)
                def _(c=c, k=k):
                    gather_start(c + k + _DEPTH, k)

    out = gather_kernel(weight, idx2)
    return out.reshape(h, b, dim).transpose(1, 0, 2)

# --- scband reference (transcript-rebuilt; emitter-appended) ---
"""Pipeline reference for scband-embedding-23794118819955 (READ-ONLY COPY).

The authoritative reference and input builder live on the scoring server;
editing this copy changes nothing except your own understanding.
"""

import jax, jax.numpy as jnp
import numpy as np

NUM_EMBEDDINGS = 100000
EMBEDDING_DIM = 128
BATCH = 4096
HIST = 50

def setup_inputs(seed: int = 0) -> dict:
    key = jax.random.key(seed)
    k_idx, k_w = jax.random.split(key)
    x = jax.random.randint(k_idx, (BATCH, HIST), 0, NUM_EMBEDDINGS, dtype=jnp.int64 if jax.config.jax_enable_x64 else jnp.int32)
    weight = jax.random.normal(k_w, (NUM_EMBEDDINGS, EMBEDDING_DIM), dtype=jnp.float32)
    return {"x": x, "weight": weight}

def reference(x, weight):
    # Faithful translation of: return self.weight[x]
    return jnp.take(weight, x, axis=0)

if __name__ == "__main__":
    import jax
    _d = setup_inputs()
    print(jax.jit(kernel)(*tuple(_d.values())))

</pallas_src>

<mosaic_0001>
#map = affine_map<(d0, d1) -> (0, 0)>
module attributes {stable_mosaic.version = 14 : i64} {
  func.func @gather_kernel(%arg0: i32, %arg1: i32, %arg2: memref<100000x128xf32, #tpu.memory_space<hbm>>, %arg3: memref<50x4096xi32, #tpu.memory_space<hbm>>, %arg4: memref<204800x128xf32, #tpu.memory_space<hbm>>, %arg5: memref<50x128xi32, #tpu.memory_space<vmem>>, %arg6: memref<64x128xf32, #tpu.memory_space<vmem>>, %arg7: memref<64x128xf32, #tpu.memory_space<vmem>>, %arg8: memref<64x128xf32, #tpu.memory_space<vmem>>, %arg9: memref<64x128xf32, #tpu.memory_space<vmem>>, %arg10: memref<64x128xf32, #tpu.memory_space<vmem>>, %arg11: memref<64x128xf32, #tpu.memory_space<vmem>>, %arg12: memref<64x128xf32, #tpu.memory_space<vmem>>, %arg13: memref<64x128xf32, #tpu.memory_space<vmem>>, %arg14: memref<64x128xf32, #tpu.memory_space<vmem>>, %arg15: memref<64x128xf32, #tpu.memory_space<vmem>>, %arg16: memref<!tpu.dma_semaphore, #tpu.memory_space<semaphore_mem>>, %arg17: memref<!tpu.dma_semaphore, #tpu.memory_space<semaphore_mem>>, %arg18: memref<!tpu.dma_semaphore, #tpu.memory_space<semaphore_mem>>, %arg19: memref<!tpu.dma_semaphore, #tpu.memory_space<semaphore_mem>>, %arg20: memref<!tpu.dma_semaphore, #tpu.memory_space<semaphore_mem>>, %arg21: memref<!tpu.dma_semaphore, #tpu.memory_space<semaphore_mem>>, %arg22: memref<!tpu.dma_semaphore, #tpu.memory_space<semaphore_mem>>, %arg23: memref<!tpu.dma_semaphore, #tpu.memory_space<semaphore_mem>>, %arg24: memref<!tpu.dma_semaphore, #tpu.memory_space<semaphore_mem>>, %arg25: memref<!tpu.dma_semaphore, #tpu.memory_space<semaphore_mem>>, %arg26: memref<!tpu.dma_semaphore, #tpu.memory_space<semaphore_mem>>, %arg27: memref<!tpu.dma_semaphore, #tpu.memory_space<semaphore_mem>>, %arg28: memref<!tpu.dma_semaphore, #tpu.memory_space<semaphore_mem>>, %arg29: memref<!tpu.dma_semaphore, #tpu.memory_space<semaphore_mem>>, %arg30: memref<!tpu.dma_semaphore, #tpu.memory_space<semaphore_mem>>, %arg31: memref<!tpu.dma_semaphore, #tpu.memory_space<semaphore_mem>>, %arg32: memref<!tpu.dma_semaphore, #tpu.memory_space<semaphore_mem>>, %arg33: memref<!tpu.dma_semaphore, #tpu.memory_space<semaphore_mem>>, %arg34: memref<!tpu.dma_semaphore, #tpu.memory_space<semaphore_mem>>, %arg35: memref<!tpu.dma_semaphore, #tpu.memory_space<semaphore_mem>>) attributes {dimension_semantics = [#tpu.dimension_semantics<core_parallel>, #tpu.dimension_semantics<subcore_parallel>], iteration_bounds = array<i64: 2, 16>, scalar_prefetch = 0 : i64, scratch_operands = 31 : i64, tpu.core_type = #tpu.core_type<sc_vector_subcore>, window_params = [{transform_indices = #map}, {transform_indices = #map}, {transform_indices = #map}]} {
    %mul3A = arith.constant 2 : i32
    %mul3A_0 = arith.muli %arg1, %mul3A : i32
    %add3A = arith.addi %mul3A_0, %arg0 : i32
    %mul3A_1 = arith.constant 128 : i32
    %mul3A_2 = arith.muli %add3A, %mul3A_1 : i32
    "tpu.region"() ({
      %run_scoped3A = tpu.sem_alloc : memref<!tpu.dma_semaphore, #tpu.memory_space<semaphore_mem>>
      %dma_start3A_76 = arith.constant 0 : i32
      %dma_start3A_77 = tpu.memref_slice %arg3[%dma_start3A_76, %mul3A_2] : memref<50x4096xi32, #tpu.memory_space<hbm>> -> memref<50x128xi32, #tpu.memory_space<hbm>>
      %dma_start3A_78 = arith.constant 0 : i32
      %dma_start3A_79 = tpu.memref_slice %arg3[%dma_start3A_78, %mul3A_2] : memref<50x4096xi32, #tpu.memory_space<hbm>> -> memref<50x128xi32, #tpu.memory_space<hbm>>
      tpu.enqueue_dma source(%dma_start3A_79 : memref<50x128xi32, #tpu.memory_space<hbm>>) target(%arg5 : memref<50x128xi32, #tpu.memory_space<vmem>>) target_semaphore(%run_scoped3A : memref<!tpu.dma_semaphore, #tpu.memory_space<semaphore_mem>>)
      %dma_wait3A = arith.constant 0 : i32
      %dma_wait3A_80 = tpu.memref_slice %arg3[%dma_wait3A, %mul3A_2] : memref<50x4096xi32, #tpu.memory_space<hbm>> -> memref<50x128xi32, #tpu.memory_space<hbm>>
      %dma_wait3A_81 = arith.constant 0 : i32
      %dma_wait3A_82 = tpu.memref_slice %arg3[%dma_wait3A_81, %mul3A_2] : memref<50x4096xi32, #tpu.memory_space<hbm>> -> memref<50x128xi32, #tpu.memory_space<hbm>>
      tpu.wait_dma2 semaphore(%run_scoped3A : memref<!tpu.dma_semaphore, #tpu.memory_space<semaphore_mem>>) src(%dma_wait3A_82 : memref<50x128xi32, #tpu.memory_space<hbm>>) dst(%arg5 : memref<50x128xi32, #tpu.memory_space<vmem>>)
      tpu.yield
    }) : () -> ()
    %dma_start3A = arith.constant 0 : i32
    %dma_start3A_3 = arith.constant 0 : i32
    %dma_start3A_4 = tpu.memref_slice %arg5[%dma_start3A, %dma_start3A_3] : memref<50x128xi32, #tpu.memory_space<vmem>> -> memref<1x64xi32, #tpu.memory_space<vmem>>
    %dma_start3A_5 = tpu.memref_squeeze %dma_start3A_4 : memref<1x64xi32, #tpu.memory_space<vmem>> -> memref<64xi32, #tpu.memory_space<vmem>>
    %dma_start3A_6 = arith.constant 0 : i32
    %dma_start3A_7 = arith.constant 0 : i32
    %dma_start3A_8 = tpu.memref_slice %arg2[%dma_start3A_6, %dma_start3A_7] : memref<100000x128xf32, #tpu.memory_space<hbm>> -> memref<100000x128xf32, #tpu.memory_space<hbm>>
    tpu.enqueue_indirect_dma source(%dma_start3A_8 : memref<100000x128xf32, #tpu.memory_space<hbm>>) target(%arg6 : memref<64x128xf32, #tpu.memory_space<vmem>>) offsets(%dma_start3A_5 : memref<64xi32, #tpu.memory_space<vmem>>) semaphore(%arg16 : memref<!tpu.dma_semaphore, #tpu.memory_space<semaphore_mem>>)
    %dma_start3A_9 = arith.constant 0 : i32
    %dma_start3A_10 = arith.constant 64 : i32
    %dma_start3A_11 = tpu.memref_slice %arg5[%dma_start3A_9, %dma_start3A_10] : memref<50x128xi32, #tpu.memory_space<vmem>> -> memref<1x64xi32, #tpu.memory_space<vmem>>
    %dma_start3A_12 = tpu.memref_squeeze %dma_start3A_11 : memref<1x64xi32, #tpu.memory_space<vmem>> -> memref<64xi32, #tpu.memory_space<vmem>>
    %dma_start3A_13 = arith.constant 0 : i32
    %dma_start3A_14 = arith.constant 0 : i32
    %dma_start3A_15 = tpu.memref_slice %arg2[%dma_start3A_13, %dma_start3A_14] : memref<100000x128xf32, #tpu.memory_space<hbm>> -> memref<100000x128xf32, #tpu.memory_space<hbm>>
    tpu.enqueue_indirect_dma source(%dma_start3A_15 : memref<100000x128xf32, #tpu.memory_space<hbm>>) target(%arg7 : memref<64x128xf32, #tpu.memory_space<vmem>>) offsets(%dma_start3A_12 : memref<64xi32, #tpu.memory_space<vmem>>) semaphore(%arg17 : memref<!tpu.dma_semaphore, #tpu.memory_space<semaphore_mem>>)
    %dma_start3A_16 = arith.constant 1 : i32
    %dma_start3A_17 = arith.constant 0 : i32
    %dma_start3A_18 = tpu.memref_slice %arg5[%dma_start3A_16, %dma_start3A_17] : memref<50x128xi32, #tpu.memory_space<vmem>> -> memref<1x64xi32, #tpu.memory_space<vmem>>
    %dma_start3A_19 = tpu.memref_squeeze %dma_start3A_18 : memref<1x64xi32, #tpu.memory_space<vmem>> -> memref<64xi32, #tpu.memory_space<vmem>>
    %dma_start3A_20 = arith.constant 0 : i32
    %dma_start3A_21 = arith.constant 0 : i32
    %dma_start3A_22 = tpu.memref_slice %arg2[%dma_start3A_20, %dma_start3A_21] : memref<100000x128xf32, #tpu.memory_space<hbm>> -> memref<100000x128xf32, #tpu.memory_space<hbm>>
    tpu.enqueue_indirect_dma source(%dma_start3A_22 : memref<100000x128xf32, #tpu.memory_space<hbm>>) target(%arg8 : memref<64x128xf32, #tpu.memory_space<vmem>>) offsets(%dma_start3A_19 : memref<64xi32, #tpu.memory_space<vmem>>) semaphore(%arg18 : memref<!tpu.dma_semaphore, #tpu.memory_space<semaphore_mem>>)
    %dma_start3A_23 = arith.constant 1 : i32
    %dma_start3A_24 = arith.constant 64 : i32
    %dma_start3A_25 = tpu.memref_slice %arg5[%dma_start3A_23, %dma_start3A_24] : memref<50x128xi32, #tpu.memory_space<vmem>> -> memref<1x64xi32, #tpu.memory_space<vmem>>
    %dma_start3A_26 = tpu.memref_squeeze %dma_start3A_25 : memref<1x64xi32, #tpu.memory_space<vmem>> -> memref<64xi32, #tpu.memory_space<vmem>>
    %dma_start3A_27 = arith.constant 0 : i32
    %dma_start3A_28 = arith.constant 0 : i32
    %dma_start3A_29 = tpu.memref_slice %arg2[%dma_start3A_27, %dma_start3A_28] : memref<100000x128xf32, #tpu.memory_space<hbm>> -> memref<100000x128xf32, #tpu.memory_space<hbm>>
    tpu.enqueue_indirect_dma source(%dma_start3A_29 : memref<100000x128xf32, #tpu.memory_space<hbm>>) target(%arg9 : memref<64x128xf32, #tpu.memory_space<vmem>>) offsets(%dma_start3A_26 : memref<64xi32, #tpu.memory_space<vmem>>) semaphore(%arg19 : memref<!tpu.dma_semaphore, #tpu.memory_space<semaphore_mem>>)
    %dma_start3A_30 = arith.constant 2 : i32
    %dma_start3A_31 = arith.constant 0 : i32
    %dma_start3A_32 = tpu.memref_slice %arg5[%dma_start3A_30, %dma_start3A_31] : memref<50x128xi32, #tpu.memory_space<vmem>> -> memref<1x64xi32, #tpu.memory_space<vmem>>
    %dma_start3A_33 = tpu.memref_squeeze %dma_start3A_32 : memref<1x64xi32, #tpu.memory_space<vmem>> -> memref<64xi32, #tpu.memory_space<vmem>>
    %dma_start3A_34 = arith.constant 0 : i32
    %dma_start3A_35 = arith.constant 0 : i32
    %dma_start3A_36 = tpu.memref_slice %arg2[%dma_start3A_34, %dma_start3A_35] : memref<100000x128xf32, #tpu.memory_space<hbm>> -> memref<100000x128xf32, #tpu.memory_space<hbm>>
    tpu.enqueue_indirect_dma source(%dma_start3A_36 : memref<100000x128xf32, #tpu.memory_space<hbm>>) target(%arg10 : memref<64x128xf32, #tpu.memory_space<vmem>>) offsets(%dma_start3A_33 : memref<64xi32, #tpu.memory_space<vmem>>) semaphore(%arg20 : memref<!tpu.dma_semaphore, #tpu.memory_space<semaphore_mem>>)
    %dma_start3A_37 = arith.constant 2 : i32
    %dma_start3A_38 = arith.constant 64 : i32
    %dma_start3A_39 = tpu.memref_slice %arg5[%dma_start3A_37, %dma_start3A_38] : memref<50x128xi32, #tpu.memory_space<vmem>> -> memref<1x64xi32, #tpu.memory_space<vmem>>
    %dma_start3A_40 = tpu.memref_squeeze %dma_start3A_39 : memref<1x64xi32, #tpu.memory_space<vmem>> -> memref<64xi32, #tpu.memory_space<vmem>>
    %dma_start3A_41 = arith.constant 0 : i32
    %dma_start3A_42 = arith.constant 0 : i32
    %dma_start3A_43 = tpu.memref_slice %arg2[%dma_start3A_41, %dma_start3A_42] : memref<100000x128xf32, #tpu.memory_space<hbm>> -> memref<100000x128xf32, #tpu.memory_space<hbm>>
    tpu.enqueue_indirect_dma source(%dma_start3A_43 : memref<100000x128xf32, #tpu.memory_space<hbm>>) target(%arg11 : memref<64x128xf32, #tpu.memory_space<vmem>>) offsets(%dma_start3A_40 : memref<64xi32, #tpu.memory_space<vmem>>) semaphore(%arg21 : memref<!tpu.dma_semaphore, #tpu.memory_space<semaphore_mem>>)
    %dma_start3A_44 = arith.constant 3 : i32
    %dma_start3A_45 = arith.constant 0 : i32
    %dma_start3A_46 = tpu.memref_slice %arg5[%dma_start3A_44, %dma_start3A_45] : memref<50x128xi32, #tpu.memory_space<vmem>> -> memref<1x64xi32, #tpu.memory_space<vmem>>
    %dma_start3A_47 = tpu.memref_squeeze %dma_start3A_46 : memref<1x64xi32, #tpu.memory_space<vmem>> -> memref<64xi32, #tpu.memory_space<vmem>>
    %dma_start3A_48 = arith.constant 0 : i32
    %dma_start3A_49 = arith.constant 0 : i32
    %dma_start3A_50 = tpu.memref_slice %arg2[%dma_start3A_48, %dma_start3A_49] : memref<100000x128xf32, #tpu.memory_space<hbm>> -> memref<100000x128xf32, #tpu.memory_space<hbm>>
    tpu.enqueue_indirect_dma source(%dma_start3A_50 : memref<100000x128xf32, #tpu.memory_space<hbm>>) target(%arg12 : memref<64x128xf32, #tpu.memory_space<vmem>>) offsets(%dma_start3A_47 : memref<64xi32, #tpu.memory_space<vmem>>) semaphore(%arg22 : memref<!tpu.dma_semaphore, #tpu.memory_space<semaphore_mem>>)
    %dma_start3A_51 = arith.constant 3 : i32
    %dma_start3A_52 = arith.constant 64 : i32
    %dma_start3A_53 = tpu.memref_slice %arg5[%dma_start3A_51, %dma_start3A_52] : memref<50x128xi32, #tpu.memory_space<vmem>> -> memref<1x64xi32, #tpu.memory_space<vmem>>
    %dma_start3A_54 = tpu.memref_squeeze %dma_start3A_53 : memref<1x64xi32, #tpu.memory_space<vmem>> -> memref<64xi32, #tpu.memory_space<vmem>>
    %dma_start3A_55 = arith.constant 0 : i32
    %dma_start3A_56 = arith.constant 0 : i32
    %dma_start3A_57 = tpu.memref_slice %arg2[%dma_start3A_55, %dma_start3A_56] : memref<100000x128xf32, #tpu.memory_space<hbm>> -> memref<100000x128xf32, #tpu.memory_space<hbm>>
    tpu.enqueue_indirect_dma source(%dma_start3A_57 : memref<100000x128xf32, #tpu.memory_space<hbm>>) target(%arg13 : memref<64x128xf32, #tpu.memory_space<vmem>>) offsets(%dma_start3A_54 : memref<64xi32, #tpu.memory_space<vmem>>) semaphore(%arg23 : memref<!tpu.dma_semaphore, #tpu.memory_space<semaphore_mem>>)
    %dma_start3A_58 = arith.constant 4 : i32
    %dma_start3A_59 = arith.constant 0 : i32
    %dma_start3A_60 = tpu.memref_slice %arg5[%dma_start3A_58, %dma_start3A_59] : memref<50x128xi32, #tpu.memory_space<vmem>> -> memref<1x64xi32, #tpu.memory_space<vmem>>
    %dma_start3A_61 = tpu.memref_squeeze %dma_start3A_60 : memref<1x64xi32, #tpu.memory_space<vmem>> -> memref<64xi32, #tpu.memory_space<vmem>>
    %dma_start3A_62 = arith.constant 0 : i32
    %dma_start3A_63 = arith.constant 0 : i32
    %dma_start3A_64 = tpu.memref_slice %arg2[%dma_start3A_62, %dma_start3A_63] : memref<100000x128xf32, #tpu.memory_space<hbm>> -> memref<100000x128xf32, #tpu.memory_space<hbm>>
    tpu.enqueue_indirect_dma source(%dma_start3A_64 : memref<100000x128xf32, #tpu.memory_space<hbm>>) target(%arg14 : memref<64x128xf32, #tpu.memory_space<vmem>>) offsets(%dma_start3A_61 : memref<64xi32, #tpu.memory_space<vmem>>) semaphore(%arg24 : memref<!tpu.dma_semaphore, #tpu.memory_space<semaphore_mem>>)
    %dma_start3A_65 = arith.constant 4 : i32
    %dma_start3A_66 = arith.constant 64 : i32
    %dma_start3A_67 = tpu.memref_slice %arg5[%dma_start3A_65, %dma_start3A_66] : memref<50x128xi32, #tpu.memory_space<vmem>> -> memref<1x64xi32, #tpu.memory_space<vmem>>
    %dma_start3A_68 = tpu.memref_squeeze %dma_start3A_67 : memref<1x64xi32, #tpu.memory_space<vmem>> -> memref<64xi32, #tpu.memory_space<vmem>>
    %dma_start3A_69 = arith.constant 0 : i32
    %dma_start3A_70 = arith.constant 0 : i32
    %dma_start3A_71 = tpu.memref_slice %arg2[%dma_start3A_69, %dma_start3A_70] : memref<100000x128xf32, #tpu.memory_space<hbm>> -> memref<100000x128xf32, #tpu.memory_space<hbm>>
    tpu.enqueue_indirect_dma source(%dma_start3A_71 : memref<100000x128xf32, #tpu.memory_space<hbm>>) target(%arg15 : memref<64x128xf32, #tpu.memory_space<vmem>>) offsets(%dma_start3A_68 : memref<64xi32, #tpu.memory_space<vmem>>) semaphore(%arg25 : memref<!tpu.dma_semaphore, #tpu.memory_space<semaphore_mem>>)
    %scan3A = arith.constant 0 : i32
    %scan3A_72 = arith.constant 10 : i32
    %scan3A_73 = arith.addi %scan3A, %scan3A_72 : i32
    %scan3A_74 = arith.constant 1 : i32
    scf.for %scan3A_76 = %scan3A to %scan3A_73 step %scan3A_74  : i32 {
      %mul3A_77 = arith.constant 10 : i32
      %mul3A_78 = arith.muli %scan3A_76, %mul3A_77 : i32
      %add3A_79 = arith.constant 0 : i32
      %add3A_80 = arith.addi %add3A_79, %mul3A_78 : i32
      %add3A_81 = arith.constant 0 : i32
      %add3A_82 = arith.addi %add3A_80, %add3A_81 : i32
      %jit3A = arith.constant 2 : i32
      %div3A = arith.divsi %add3A_82, %jit3A : i32
      %sign3A = arith.constant 0 : i32
      %sign3A_83 = arith.cmpi sgt, %add3A_82, %sign3A : i32
      %sign3A_84 = arith.extui %sign3A_83 : i1 to i32
      %sign3A_85 = arith.constant 0 : i32
      %sign3A_86 = arith.cmpi slt, %add3A_82, %sign3A_85 : i32
      %sign3A_87 = arith.extui %sign3A_86 : i1 to i32
      %sign3A_88 = arith.subi %sign3A_84, %sign3A_87 : i32
      %sign3A_89 = arith.constant 0 : i32
      %sign3A_90 = arith.cmpi sgt, %jit3A, %sign3A_89 : i32
      %sign3A_91 = arith.extui %sign3A_90 : i1 to i32
      %sign3A_92 = arith.constant 0 : i32
      %sign3A_93 = arith.cmpi slt, %jit3A, %sign3A_92 : i32
      %sign3A_94 = arith.extui %sign3A_93 : i1 to i32
      %sign3A_95 = arith.subi %sign3A_91, %sign3A_94 : i32
      %ne3A = arith.cmpi ne, %sign3A_88, %sign3A_95 : i32
      %rem3A = arith.remsi %add3A_82, %jit3A : i32
      %ne3A_96 = arith.constant 0 : i32
      %ne3A_97 = arith.cmpi ne, %rem3A, %ne3A_96 : i32
      %and3A = arith.andi %ne3A, %ne3A_97 : i1
      %sub3A = arith.constant 1 : i32
      %sub3A_98 = arith.subi %div3A, %sub3A : i32
      %select_n3A = arith.select %and3A, %sub3A_98, %div3A : i32
      %jit3A_99 = arith.constant 2 : i32
      %eq3A = arith.constant 0 : i32
      %eq3A_100 = arith.cmpi eq, %jit3A_99, %eq3A : i32
      %jit3A_101 = arith.constant 1 : i32
      %select_n3A_102 = arith.select %eq3A_100, %jit3A_101, %jit3A_99 : i32
      %rem3A_103 = arith.remsi %add3A_82, %select_n3A_102 : i32
      %ne3A_104 = arith.constant 0 : i32
      %ne3A_105 = arith.cmpi ne, %rem3A_103, %ne3A_104 : i32
      %lt3A = arith.constant 0 : i32
      %lt3A_106 = arith.cmpi slt, %rem3A_103, %lt3A : i32
      %lt3A_107 = arith.constant 0 : i32
      %lt3A_108 = arith.cmpi slt, %select_n3A_102, %lt3A_107 : i32
      %ne3A_109 = arith.xori %lt3A_106, %lt3A_108 : i1
      %and3A_110 = arith.andi %ne3A_109, %ne3A_105 : i1
      %add3A_111 = arith.addi %rem3A_103, %select_n3A_102 : i32
      %select_n3A_112 = arith.select %and3A_110, %add3A_111, %rem3A_103 : i32
      %mul3A_113 = arith.constant 64 : i32
      %mul3A_114 = arith.muli %select_n3A_112, %mul3A_113 : i32
      %dma_wait3A = tpu.memref_slice %arg5[%select_n3A, %mul3A_114] : memref<50x128xi32, #tpu.memory_space<vmem>> -> memref<1x64xi32, #tpu.memory_space<vmem>>
      %dma_wait3A_115 = tpu.memref_squeeze %dma_wait3A : memref<1x64xi32, #tpu.memory_space<vmem>> -> memref<64xi32, #tpu.memory_space<vmem>>
      %dma_wait3A_116 = arith.constant 0 : i32
      %dma_wait3A_117 = arith.constant 0 : i32
      %dma_wait3A_118 = tpu.memref_slice %arg2[%dma_wait3A_116, %dma_wait3A_117] : memref<100000x128xf32, #tpu.memory_space<hbm>> -> memref<100000x128xf32, #tpu.memory_space<hbm>>
      tpu.wait_indirect_dma semaphore(%arg16 : memref<!tpu.dma_semaphore, #tpu.memory_space<semaphore_mem>>) src(%dma_wait3A_118 : memref<100000x128xf32, #tpu.memory_space<hbm>>) dst(%arg6 : memref<64x128xf32, #tpu.memory_space<vmem>>)
      %add3A_119 = arith.constant 0 : i32
      %add3A_120 = arith.addi %add3A_80, %add3A_119 : i32
      %jit3A_121 = arith.constant 2 : i32
      %div3A_122 = arith.divsi %add3A_120, %jit3A_121 : i32
      %sign3A_123 = arith.constant 0 : i32
      %sign3A_124 = arith.cmpi sgt, %add3A_120, %sign3A_123 : i32
      %sign3A_125 = arith.extui %sign3A_124 : i1 to i32
      %sign3A_126 = arith.constant 0 : i32
      %sign3A_127 = arith.cmpi slt, %add3A_120, %sign3A_126 : i32
      %sign3A_128 = arith.extui %sign3A_127 : i1 to i32
      %sign3A_129 = arith.subi %sign3A_125, %sign3A_128 : i32
      %sign3A_130 = arith.constant 0 : i32
      %sign3A_131 = arith.cmpi sgt, %jit3A_121, %sign3A_130 : i32
      %sign3A_132 = arith.extui %sign3A_131 : i1 to i32
      %sign3A_133 = arith.constant 0 : i32
      %sign3A_134 = arith.cmpi slt, %jit3A_121, %sign3A_133 : i32
      %sign3A_135 = arith.extui %sign3A_134 : i1 to i32
      %sign3A_136 = arith.subi %sign3A_132, %sign3A_135 : i32
      %ne3A_137 = arith.cmpi ne, %sign3A_129, %sign3A_136 : i32
      %rem3A_138 = arith.remsi %add3A_120, %jit3A_121 : i32
      %ne3A_139 = arith.constant 0 : i32
      %ne3A_140 = arith.cmpi ne, %rem3A_138, %ne3A_139 : i32
      %and3A_141 = arith.andi %ne3A_137, %ne3A_140 : i1
      %sub3A_142 = arith.constant 1 : i32
      %sub3A_143 = arith.subi %div3A_122, %sub3A_142 : i32
      %select_n3A_144 = arith.select %and3A_141, %sub3A_143, %div3A_122 : i32
      %jit3A_145 = arith.constant 2 : i32
      %eq3A_146 = arith.constant 0 : i32
      %eq3A_147 = arith.cmpi eq, %jit3A_145, %eq3A_146 : i32
      %jit3A_148 = arith.constant 1 : i32
      %select_n3A_149 = arith.select %eq3A_147, %jit3A_148, %jit3A_145 : i32
      %rem3A_150 = arith.remsi %add3A_120, %select_n3A_149 : i32
      %ne3A_151 = arith.constant 0 : i32
      %ne3A_152 = arith.cmpi ne, %rem3A_150, %ne3A_151 : i32
      %lt3A_153 = arith.constant 0 : i32
      %lt3A_154 = arith.cmpi slt, %rem3A_150, %lt3A_153 : i32
      %lt3A_155 = arith.constant 0 : i32
      %lt3A_156 = arith.cmpi slt, %select_n3A_149, %lt3A_155 : i32
      %ne3A_157 = arith.xori %lt3A_154, %lt3A_156 : i1
      %and3A_158 = arith.andi %ne3A_157, %ne3A_152 : i1
      %add3A_159 = arith.addi %rem3A_150, %select_n3A_149 : i32
      %select_n3A_160 = arith.select %and3A_158, %add3A_159, %rem3A_150 : i32
      %mul3A_161 = arith.constant 64 : i32
      %mul3A_162 = arith.muli %select_n3A_160, %mul3A_161 : i32
      %mul3A_163 = arith.constant 4096 : i32
      %mul3A_164 = arith.muli %select_n3A_144, %mul3A_163 : i32
      %add3A_165 = arith.addi %mul3A_164, %mul3A_2 : i32
      %add3A_166 = arith.addi %add3A_165, %mul3A_162 : i32
      %dma_start3A_167 = arith.constant 0 : i32
      %dma_start3A_168 = tpu.memref_slice %arg4[%add3A_166, %dma_start3A_167] : memref<204800x128xf32, #tpu.memory_space<hbm>> -> memref<64x128xf32, #tpu.memory_space<hbm>>
      %dma_start3A_169 = arith.constant 0 : i32
      %dma_start3A_170 = tpu.memref_slice %arg4[%add3A_166, %dma_start3A_169] : memref<204800x128xf32, #tpu.memory_space<hbm>> -> memref<64x128xf32, #tpu.memory_space<hbm>>
      tpu.enqueue_dma source(%arg6 : memref<64x128xf32, #tpu.memory_space<vmem>>) target(%dma_start3A_170 : memref<64x128xf32, #tpu.memory_space<hbm>>) target_semaphore(%arg26 : memref<!tpu.dma_semaphore, #tpu.memory_space<semaphore_mem>>)
      %add3A_171 = arith.constant 0 : i32
      %add3A_172 = arith.addi %add3A_80, %add3A_171 : i32
      %jit3A_173 = arith.constant 2 : i32
      %div3A_174 = arith.divsi %add3A_172, %jit3A_173 : i32
      %sign3A_175 = arith.constant 0 : i32
      %sign3A_176 = arith.cmpi sgt, %add3A_172, %sign3A_175 : i32
      %sign3A_177 = arith.extui %sign3A_176 : i1 to i32
      %sign3A_178 = arith.constant 0 : i32
      %sign3A_179 = arith.cmpi slt, %add3A_172, %sign3A_178 : i32
      %sign3A_180 = arith.extui %sign3A_179 : i1 to i32
      %sign3A_181 = arith.subi %sign3A_177, %sign3A_180 : i32
      %sign3A_182 = arith.constant 0 : i32
      %sign3A_183 = arith.cmpi sgt, %jit3A_173, %sign3A_182 : i32
      %sign3A_184 = arith.extui %sign3A_183 : i1 to i32
      %sign3A_185 = arith.constant 0 : i32
      %sign3A_186 = arith.cmpi slt, %jit3A_173, %sign3A_185 : i32
      %sign3A_187 = arith.extui %sign3A_186 : i1 to i32
      %sign3A_188 = arith.subi %sign3A_184, %sign3A_187 : i32
      %ne3A_189 = arith.cmpi ne, %sign3A_181, %sign3A_188 : i32
      %rem3A_190 = arith.remsi %add3A_172, %jit3A_173 : i32
      %ne3A_191 = arith.constant 0 : i32
      %ne3A_192 = arith.cmpi ne, %rem3A_190, %ne3A_191 : i32
      %and3A_193 = arith.andi %ne3A_189, %ne3A_192 : i1
      %sub3A_194 = arith.constant 1 : i32
      %sub3A_195 = arith.subi %div3A_174, %sub3A_194 : i32
      %select_n3A_196 = arith.select %and3A_193, %sub3A_195, %div3A_174 : i32
      %jit3A_197 = arith.constant 2 : i32
      %eq3A_198 = arith.constant 0 : i32
      %eq3A_199 = arith.cmpi eq, %jit3A_197, %eq3A_198 : i32
      %jit3A_200 = arith.constant 1 : i32
      %select_n3A_201 = arith.select %eq3A_199, %jit3A_200, %jit3A_197 : i32
      %rem3A_202 = arith.remsi %add3A_172, %select_n3A_201 : i32
      %ne3A_203 = arith.constant 0 : i32
      %ne3A_204 = arith.cmpi ne, %rem3A_202, %ne3A_203 : i32
      %lt3A_205 = arith.constant 0 : i32
      %lt3A_206 = arith.cmpi slt, %rem3A_202, %lt3A_205 : i32
      %lt3A_207 = arith.constant 0 : i32
      %lt3A_208 = arith.cmpi slt, %select_n3A_201, %lt3A_207 : i32
      %ne3A_209 = arith.xori %lt3A_206, %lt3A_208 : i1
      %and3A_210 = arith.andi %ne3A_209, %ne3A_204 : i1
      %add3A_211 = arith.addi %rem3A_202, %select_n3A_201 : i32
      %select_n3A_212 = arith.select %and3A_210, %add3A_211, %rem3A_202 : i32
      %mul3A_213 = arith.constant 64 : i32
      %mul3A_214 = arith.muli %select_n3A_212, %mul3A_213 : i32
      %mul3A_215 = arith.constant 4096 : i32
      %mul3A_216 = arith.muli %select_n3A_196, %mul3A_215 : i32
      %add3A_217 = arith.addi %mul3A_216, %mul3A_2 : i32
      %add3A_218 = arith.addi %add3A_217, %mul3A_214 : i32
      %dma_wait3A_219 = arith.constant 0 : i32
      %dma_wait3A_220 = tpu.memref_slice %arg4[%add3A_218, %dma_wait3A_219] : memref<204800x128xf32, #tpu.memory_space<hbm>> -> memref<64x128xf32, #tpu.memory_space<hbm>>
      %dma_wait3A_221 = arith.constant 0 : i32
      %dma_wait3A_222 = tpu.memref_slice %arg4[%add3A_218, %dma_wait3A_221] : memref<204800x128xf32, #tpu.memory_space<hbm>> -> memref<64x128xf32, #tpu.memory_space<hbm>>
      tpu.wait_dma2 semaphore(%arg26 : memref<!tpu.dma_semaphore, #tpu.memory_space<semaphore_mem>>) src(%arg6 : memref<64x128xf32, #tpu.memory_space<vmem>>) dst(%dma_wait3A_222 : memref<64x128xf32, #tpu.memory_space<hbm>>)
      %add3A_223 = arith.constant 0 : i32
      %add3A_224 = arith.addi %add3A_80, %add3A_223 : i32
      %add3A_225 = arith.constant 10 : i32
      %add3A_226 = arith.addi %add3A_224, %add3A_225 : i32
      %lt3A_227 = arith.constant 100 : i32
      %lt3A_228 = arith.cmpi slt, %add3A_226, %lt3A_227 : i32
      %convert_element_type3A = arith.extui %lt3A_228 : i1 to i32
      %cond3A = arith.constant 0 : i32
      %cond3A_229 = arith.cmpi ne, %convert_element_type3A, %cond3A : i32
      scf.if %cond3A_229 {
        %add3A_1688 = arith.constant 0 : i32
        %add3A_1689 = arith.addi %add3A_80, %add3A_1688 : i32
        %add3A_1690 = arith.constant 10 : i32
        %add3A_1691 = arith.addi %add3A_1689, %add3A_1690 : i32
        %jit3A_1692 = arith.constant 2 : i32
        %div3A_1693 = arith.divsi %add3A_1691, %jit3A_1692 : i32
        %sign3A_1694 = arith.constant 0 : i32
        %sign3A_1695 = arith.cmpi sgt, %add3A_1691, %sign3A_1694 : i32
        %sign3A_1696 = arith.extui %sign3A_1695 : i1 to i32
        %sign3A_1697 = arith.constant 0 : i32
        %sign3A_1698 = arith.cmpi slt, %add3A_1691, %sign3A_1697 : i32
        %sign3A_1699 = arith.extui %sign3A_1698 : i1 to i32
        %sign3A_1700 = arith.subi %sign3A_1696, %sign3A_1699 : i32
        %sign3A_1701 = arith.constant 0 : i32
        %sign3A_1702 = arith.cmpi sgt, %jit3A_1692, %sign3A_1701 : i32
        %sign3A_1703 = arith.extui %sign3A_1702 : i1 to i32
        %sign3A_1704 = arith.constant 0 : i32
        %sign3A_1705 = arith.cmpi slt, %jit3A_1692, %sign3A_1704 : i32
        %sign3A_1706 = arith.extui %sign3A_1705 : i1 to i32
        %sign3A_1707 = arith.subi %sign3A_1703, %sign3A_1706 : i32
        %ne3A_1708 = arith.cmpi ne, %sign3A_1700, %sign3A_1707 : i32
        %rem3A_1709 = arith.remsi %add3A_1691, %jit3A_1692 : i32
        %ne3A_1710 = arith.constant 0 : i32
        %ne3A_1711 = arith.cmpi ne, %rem3A_1709, %ne3A_1710 : i32
        %and3A_1712 = arith.andi %ne3A_1708, %ne3A_1711 : i1
        %sub3A_1713 = arith.constant 1 : i32
        %sub3A_1714 = arith.subi %div3A_1693, %sub3A_1713 : i32
        %select_n3A_1715 = arith.select %and3A_1712, %sub3A_1714, %div3A_1693 : i32
        %jit3A_1716 = arith.constant 2 : i32
        %eq3A_1717 = arith.constant 0 : i32
        %eq3A_1718 = arith.cmpi eq, %jit3A_1716, %eq3A_1717 : i32
        %jit3A_1719 = arith.constant 1 : i32
        %select_n3A_1720 = arith.select %eq3A_1718, %jit3A_1719, %jit3A_1716 : i32
        %rem3A_1721 = arith.remsi %add3A_1691, %select_n3A_1720 : i32
        %ne3A_1722 = arith.constant 0 : i32
        %ne3A_1723 = arith.cmpi ne, %rem3A_1721, %ne3A_1722 : i32
        %lt3A_1724 = arith.constant 0 : i32
        %lt3A_1725 = arith.cmpi slt, %rem3A_1721, %lt3A_1724 : i32
        %lt3A_1726 = arith.constant 0 : i32
        %lt3A_1727 = arith.cmpi slt, %select_n3A_1720, %lt3A_1726 : i32
        %ne3A_1728 = arith.xori %lt3A_1725, %lt3A_1727 : i1
        %and3A_1729 = arith.andi %ne3A_1728, %ne3A_1723 : i1
        %add3A_1730 = arith.addi %rem3A_1721, %select_n3A_1720 : i32
        %select_n3A_1731 = arith.select %and3A_1729, %add3A_1730, %rem3A_1721 : i32
        %mul3A_1732 = arith.constant 64 : i32
        %mul3A_1733 = arith.muli %select_n3A_1731, %mul3A_1732 : i32
        %dma_start3A_1734 = tpu.memref_slice %arg5[%select_n3A_1715, %mul3A_1733] : memref<50x128xi32, #tpu.memory_space<vmem>> -> memref<1x64xi32, #tpu.memory_space<vmem>>
        %dma_start3A_1735 = tpu.memref_squeeze %dma_start3A_1734 : memref<1x64xi32, #tpu.memory_space<vmem>> -> memref<64xi32, #tpu.memory_space<vmem>>
        %dma_start3A_1736 = arith.constant 0 : i32
        %dma_start3A_1737 = arith.constant 0 : i32
        %dma_start3A_1738 = tpu.memref_slice %arg2[%dma_start3A_1736, %dma_start3A_1737] : memref<100000x128xf32, #tpu.memory_space<hbm>> -> memref<100000x128xf32, #tpu.memory_space<hbm>>
        tpu.enqueue_indirect_dma source(%dma_start3A_1738 : memref<100000x128xf32, #tpu.memory_space<hbm>>) target(%arg6 : memref<64x128xf32, #tpu.memory_space<vmem>>) offsets(%dma_start3A_1735 : memref<64xi32, #tpu.memory_space<vmem>>) semaphore(%arg16 : memref<!tpu.dma_semaphore, #tpu.memory_space<semaphore_mem>>)
      } else {
      }
      %add3A_230 = arith.constant 1 : i32
      %add3A_231 = arith.addi %add3A_80, %add3A_230 : i32
      %jit3A_232 = arith.constant 2 : i32
      %div3A_233 = arith.divsi %add3A_231, %jit3A_232 : i32
      %sign3A_234 = arith.constant 0 : i32
      %sign3A_235 = arith.cmpi sgt, %add3A_231, %sign3A_234 : i32
      %sign3A_236 = arith.extui %sign3A_235 : i1 to i32
      %sign3A_237 = arith.constant 0 : i32
      %sign3A_238 = arith.cmpi slt, %add3A_231, %sign3A_237 : i32
      %sign3A_239 = arith.extui %sign3A_238 : i1 to i32
      %sign3A_240 = arith.subi %sign3A_236, %sign3A_239 : i32
      %sign3A_241 = arith.constant 0 : i32
      %sign3A_242 = arith.cmpi sgt, %jit3A_232, %sign3A_241 : i32
      %sign3A_243 = arith.extui %sign3A_242 : i1 to i32
      %sign3A_244 = arith.constant 0 : i32
      %sign3A_245 = arith.cmpi slt, %jit3A_232, %sign3A_244 : i32
      %sign3A_246 = arith.extui %sign3A_245 : i1 to i32
      %sign3A_247 = arith.subi %sign3A_243, %sign3A_246 : i32
      %ne3A_248 = arith.cmpi ne, %sign3A_240, %sign3A_247 : i32
      %rem3A_249 = arith.remsi %add3A_231, %jit3A_232 : i32
      %ne3A_250 = arith.constant 0 : i32
      %ne3A_251 = arith.cmpi ne, %rem3A_249, %ne3A_250 : i32
      %and3A_252 = arith.andi %ne3A_248, %ne3A_251 : i1
      %sub3A_253 = arith.constant 1 : i32
      %sub3A_254 = arith.subi %div3A_233, %sub3A_253 : i32
      %select_n3A_255 = arith.select %and3A_252, %sub3A_254, %div3A_233 : i32
      %jit3A_256 = arith.constant 2 : i32
      %eq3A_257 = arith.constant 0 : i32
      %eq3A_258 = arith.cmpi eq, %jit3A_256, %eq3A_257 : i32
      %jit3A_259 = arith.constant 1 : i32
      %select_n3A_260 = arith.select %eq3A_258, %jit3A_259, %jit3A_256 : i32
      %rem3A_261 = arith.remsi %add3A_231, %select_n3A_260 : i32
      %ne3A_262 = arith.constant 0 : i32
      %ne3A_263 = arith.cmpi ne, %rem3A_261, %ne3A_262 : i32
      %lt3A_264 = arith.constant 0 : i32
      %lt3A_265 = arith.cmpi slt, %rem3A_261, %lt3A_264 : i32
      %lt3A_266 = arith.constant 0 : i32
      %lt3A_267 = arith.cmpi slt, %select_n3A_260, %lt3A_266 : i32
      %ne3A_268 = arith.xori %lt3A_265, %lt3A_267 : i1
      %and3A_269 = arith.andi %ne3A_268, %ne3A_263 : i1
      %add3A_270 = arith.addi %rem3A_261, %select_n3A_260 : i32
      %select_n3A_271 = arith.select %and3A_269, %add3A_270, %rem3A_261 : i32
      %mul3A_272 = arith.constant 64 : i32
      %mul3A_273 = arith.muli %select_n3A_271, %mul3A_272 : i32
      %dma_wait3A_274 = tpu.memref_slice %arg5[%select_n3A_255, %mul3A_273] : memref<50x128xi32, #tpu.memory_space<vmem>> -> memref<1x64xi32, #tpu.memory_space<vmem>>
      %dma_wait3A_275 = tpu.memref_squeeze %dma_wait3A_274 : memref<1x64xi32, #tpu.memory_space<vmem>> -> memref<64xi32, #tpu.memory_space<vmem>>
      %dma_wait3A_276 = arith.constant 0 : i32
      %dma_wait3A_277 = arith.constant 0 : i32
      %dma_wait3A_278 = tpu.memref_slice %arg2[%dma_wait3A_276, %dma_wait3A_277] : memref<100000x128xf32, #tpu.memory_space<hbm>> -> memref<100000x128xf32, #tpu.memory_space<hbm>>
      tpu.wait_indirect_dma semaphore(%arg17 : memref<!tpu.dma_semaphore, #tpu.memory_space<semaphore_mem>>) src(%dma_wait3A_278 : memref<100000x128xf32, #tpu.memory_space<hbm>>) dst(%arg7 : memref<64x128xf32, #tpu.memory_space<vmem>>)
      %add3A_279 = arith.constant 1 : i32
      %add3A_280 = arith.addi %add3A_80, %add3A_279 : i32
      %jit3A_281 = arith.constant 2 : i32
      %div3A_282 = arith.divsi %add3A_280, %jit3A_281 : i32
      %sign3A_283 = arith.constant 0 : i32
      %sign3A_284 = arith.cmpi sgt, %add3A_280, %sign3A_283 : i32
      %sign3A_285 = arith.extui %sign3A_284 : i1 to i32
      %sign3A_286 = arith.constant 0 : i32
      %sign3A_287 = arith.cmpi slt, %add3A_280, %sign3A_286 : i32
      %sign3A_288 = arith.extui %sign3A_287 : i1 to i32
      %sign3A_289 = arith.subi %sign3A_285, %sign3A_288 : i32
      %sign3A_290 = arith.constant 0 : i32
      %sign3A_291 = arith.cmpi sgt, %jit3A_281, %sign3A_290 : i32
      %sign3A_292 = arith.extui %sign3A_291 : i1 to i32
      %sign3A_293 = arith.constant 0 : i32
      %sign3A_294 = arith.cmpi slt, %jit3A_281, %sign3A_293 : i32
      %sign3A_295 = arith.extui %sign3A_294 : i1 to i32
      %sign3A_296 = arith.subi %sign3A_292, %sign3A_295 : i32
      %ne3A_297 = arith.cmpi ne, %sign3A_289, %sign3A_296 : i32
      %rem3A_298 = arith.remsi %add3A_280, %jit3A_281 : i32
      %ne3A_299 = arith.constant 0 : i32
      %ne3A_300 = arith.cmpi ne, %rem3A_298, %ne3A_299 : i32
      %and3A_301 = arith.andi %ne3A_297, %ne3A_300 : i1
      %sub3A_302 = arith.constant 1 : i32
      %sub3A_303 = arith.subi %div3A_282, %sub3A_302 : i32
      %select_n3A_304 = arith.select %and3A_301, %sub3A_303, %div3A_282 : i32
      %jit3A_305 = arith.constant 2 : i32
      %eq3A_306 = arith.constant 0 : i32
      %eq3A_307 = arith.cmpi eq, %jit3A_305, %eq3A_306 : i32
      %jit3A_308 = arith.constant 1 : i32
      %select_n3A_309 = arith.select %eq3A_307, %jit3A_308, %jit3A_305 : i32
      %rem3A_310 = arith.remsi %add3A_280, %select_n3A_309 : i32
      %ne3A_311 = arith.constant 0 : i32
      %ne3A_312 = arith.cmpi ne, %rem3A_310, %ne3A_311 : i32
      %lt3A_313 = arith.constant 0 : i32
      %lt3A_314 = arith.cmpi slt, %rem3A_310, %lt3A_313 : i32
      %lt3A_315 = arith.constant 0 : i32
      %lt3A_316 = arith.cmpi slt, %select_n3A_309, %lt3A_315 : i32
      %ne3A_317 = arith.xori %lt3A_314, %lt3A_316 : i1
      %and3A_318 = arith.andi %ne3A_317, %ne3A_312 : i1
      %add3A_319 = arith.addi %rem3A_310, %select_n3A_309 : i32
      %select_n3A_320 = arith.select %and3A_318, %add3A_319, %rem3A_310 : i32
      %mul3A_321 = arith.constant 64 : i32
      %mul3A_322 = arith.muli %select_n3A_320, %mul3A_321 : i32
      %mul3A_323 = arith.constant 4096 : i32
      %mul3A_324 = arith.muli %select_n3A_304, %mul3A_323 : i32
      %add3A_325 = arith.addi %mul3A_324, %mul3A_2 : i32
      %add3A_326 = arith.addi %add3A_325, %mul3A_322 : i32
      %dma_start3A_327 = arith.constant 0 : i32
      %dma_start3A_328 = tpu.memref_slice %arg4[%add3A_326, %dma_start3A_327] : memref<204800x128xf32, #tpu.memory_space<hbm>> -> memref<64x128xf32, #tpu.memory_space<hbm>>
      %dma_start3A_329 = arith.constant 0 : i32
      %dma_start3A_330 = tpu.memref_slice %arg4[%add3A_326, %dma_start3A_329] : memref<204800x128xf32, #tpu.memory_space<hbm>> -> memref<64x128xf32, #tpu.memory_space<hbm>>
      tpu.enqueue_dma source(%arg7 : memref<64x128xf32, #tpu.memory_space<vmem>>) target(%dma_start3A_330 : memref<64x128xf32, #tpu.memory_space<hbm>>) target_semaphore(%arg27 : memref<!tpu.dma_semaphore, #tpu.memory_space<semaphore_mem>>)
      %add3A_331 = arith.constant 1 : i32
      %add3A_332 = arith.addi %add3A_80, %add3A_331 : i32
      %jit3A_333 = arith.constant 2 : i32
      %div3A_334 = arith.divsi %add3A_332, %jit3A_333 : i32
      %sign3A_335 = arith.constant 0 : i32
      %sign3A_336 = arith.cmpi sgt, %add3A_332, %sign3A_335 : i32
      %sign3A_337 = arith.extui %sign3A_336 : i1 to i32
      %sign3A_338 = arith.constant 0 : i32
      %sign3A_339 = arith.cmpi slt, %add3A_332, %sign3A_338 : i32
      %sign3A_340 = arith.extui %sign3A_339 : i1 to i32
      %sign3A_341 = arith.subi %sign3A_337, %sign3A_340 : i32
      %sign3A_342 = arith.constant 0 : i32
      %sign3A_343 = arith.cmpi sgt, %jit3A_333, %sign3A_342 : i32
      %sign3A_344 = arith.extui %sign3A_343 : i1 to i32
      %sign3A_345 = arith.constant 0 : i32
      %sign3A_346 = arith.cmpi slt, %jit3A_333, %sign3A_345 : i32
      %sign3A_347 = arith.extui %sign3A_346 : i1 to i32
      %sign3A_348 = arith.subi %sign3A_344, %sign3A_347 : i32
      %ne3A_349 = arith.cmpi ne, %sign3A_341, %sign3A_348 : i32
      %rem3A_350 = arith.remsi %add3A_332, %jit3A_333 : i32
      %ne3A_351 = arith.constant 0 : i32
      %ne3A_352 = arith.cmpi ne, %rem3A_350, %ne3A_351 : i32
      %and3A_353 = arith.andi %ne3A_349, %ne3A_352 : i1
      %sub3A_354 = arith.constant 1 : i32
      %sub3A_355 = arith.subi %div3A_334, %sub3A_354 : i32
      %select_n3A_356 = arith.select %and3A_353, %sub3A_355, %div3A_334 : i32
      %jit3A_357 = arith.constant 2 : i32
      %eq3A_358 = arith.constant 0 : i32
      %eq3A_359 = arith.cmpi eq, %jit3A_357, %eq3A_358 : i32
      %jit3A_360 = arith.constant 1 : i32
      %select_n3A_361 = arith.select %eq3A_359, %jit3A_360, %jit3A_357 : i32
      %rem3A_362 = arith.remsi %add3A_332, %select_n3A_361 : i32
      %ne3A_363 = arith.constant 0 : i32
      %ne3A_364 = arith.cmpi ne, %rem3A_362, %ne3A_363 : i32
      %lt3A_365 = arith.constant 0 : i32
      %lt3A_366 = arith.cmpi slt, %rem3A_362, %lt3A_365 : i32
      %lt3A_367 = arith.constant 0 : i32
      %lt3A_368 = arith.cmpi slt, %select_n3A_361, %lt3A_367 : i32
      %ne3A_369 = arith.xori %lt3A_366, %lt3A_368 : i1
      %and3A_370 = arith.andi %ne3A_369, %ne3A_364 : i1
      %add3A_371 = arith.addi %rem3A_362, %select_n3A_361 : i32
      %select_n3A_372 = arith.select %and3A_370, %add3A_371, %rem3A_362 : i32
      %mul3A_373 = arith.constant 64 : i32
      %mul3A_374 = arith.muli %select_n3A_372, %mul3A_373 : i32
      %mul3A_375 = arith.constant 4096 : i32
      %mul3A_376 = arith.muli %select_n3A_356, %mul3A_375 : i32
      %add3A_377 = arith.addi %mul3A_376, %mul3A_2 : i32
      %add3A_378 = arith.addi %add3A_377, %mul3A_374 : i32
      %dma_wait3A_379 = arith.constant 0 : i32
      %dma_wait3A_380 = tpu.memref_slice %arg4[%add3A_378, %dma_wait3A_379] : memref<204800x128xf32, #tpu.memory_space<hbm>> -> memref<64x128xf32, #tpu.memory_space<hbm>>
      %dma_wait3A_381 = arith.constant 0 : i32
      %dma_wait3A_382 = tpu.memref_slice %arg4[%add3A_378, %dma_wait3A_381] : memref<204800x128xf32, #tpu.memory_space<hbm>> -> memref<64x128xf32, #tpu.memory_space<hbm>>
      tpu.wait_dma2 semaphore(%arg27 : memref<!tpu.dma_semaphore, #tpu.memory_space<semaphore_mem>>) src(%arg7 : memref<64x128xf32, #tpu.memory_space<vmem>>) dst(%dma_wait3A_382 : memref<64x128xf32, #tpu.memory_space<hbm>>)
      %add3A_383 = arith.constant 1 : i32
      %add3A_384 = arith.addi %add3A_80, %add3A_383 : i32
      %add3A_385 = arith.constant 10 : i32
      %add3A_386 = arith.addi %add3A_384, %add3A_385 : i32
      %lt3A_387 = arith.constant 100 : i32
      %lt3A_388 = arith.cmpi slt, %add3A_386, %lt3A_387 : i32
      %convert_element_type3A_389 = arith.extui %lt3A_388 : i1 to i32
      %cond3A_390 = arith.constant 0 : i32
      %cond3A_391 = arith.cmpi ne, %convert_element_type3A_389, %cond3A_390 : i32
      scf.if %cond3A_391 {
        %add3A_1688 = arith.constant 1 : i32
        %add3A_1689 = arith.addi %add3A_80, %add3A_1688 : i32
        %add3A_1690 = arith.constant 10 : i32
        %add3A_1691 = arith.addi %add3A_1689, %add3A_1690 : i32
        %jit3A_1692 = arith.constant 2 : i32
        %div3A_1693 = arith.divsi %add3A_1691, %jit3A_1692 : i32
        %sign3A_1694 = arith.constant 0 : i32
        %sign3A_1695 = arith.cmpi sgt, %add3A_1691, %sign3A_1694 : i32
        %sign3A_1696 = arith.extui %sign3A_1695 : i1 to i32
        %sign3A_1697 = arith.constant 0 : i32
        %sign3A_1698 = arith.cmpi slt, %add3A_1691, %sign3A_1697 : i32
        %sign3A_1699 = arith.extui %sign3A_1698 : i1 to i32
        %sign3A_1700 = arith.subi %sign3A_1696, %sign3A_1699 : i32
        %sign3A_1701 = arith.constant 0 : i32
        %sign3A_1702 = arith.cmpi sgt, %jit3A_1692, %sign3A_1701 : i32
        %sign3A_1703 = arith.extui %sign3A_1702 : i1 to i32
        %sign3A_1704 = arith.constant 0 : i32
        %sign3A_1705 = arith.cmpi slt, %jit3A_1692, %sign3A_1704 : i32
        %sign3A_1706 = arith.extui %sign3A_1705 : i1 to i32
        %sign3A_1707 = arith.subi %sign3A_1703, %sign3A_1706 : i32
        %ne3A_1708 = arith.cmpi ne, %sign3A_1700, %sign3A_1707 : i32
        %rem3A_1709 = arith.remsi %add3A_1691, %jit3A_1692 : i32
        %ne3A_1710 = arith.constant 0 : i32
        %ne3A_1711 = arith.cmpi ne, %rem3A_1709, %ne3A_1710 : i32
        %and3A_1712 = arith.andi %ne3A_1708, %ne3A_1711 : i1
        %sub3A_1713 = arith.constant 1 : i32
        %sub3A_1714 = arith.subi %div3A_1693, %sub3A_1713 : i32
        %select_n3A_1715 = arith.select %and3A_1712, %sub3A_1714, %div3A_1693 : i32
        %jit3A_1716 = arith.constant 2 : i32
        %eq3A_1717 = arith.constant 0 : i32
        %eq3A_1718 = arith.cmpi eq, %jit3A_1716, %eq3A_1717 : i32
        %jit3A_1719 = arith.constant 1 : i32
        %select_n3A_1720 = arith.select %eq3A_1718, %jit3A_1719, %jit3A_1716 : i32
        %rem3A_1721 = arith.remsi %add3A_1691, %select_n3A_1720 : i32
        %ne3A_1722 = arith.constant 0 : i32
        %ne3A_1723 = arith.cmpi ne, %rem3A_1721, %ne3A_1722 : i32
        %lt3A_1724 = arith.constant 0 : i32
        %lt3A_1725 = arith.cmpi slt, %rem3A_1721, %lt3A_1724 : i32
        %lt3A_1726 = arith.constant 0 : i32
        %lt3A_1727 = arith.cmpi slt, %select_n3A_1720, %lt3A_1726 : i32
        %ne3A_1728 = arith.xori %lt3A_1725, %lt3A_1727 : i1
        %and3A_1729 = arith.andi %ne3A_1728, %ne3A_1723 : i1
        %add3A_1730 = arith.addi %rem3A_1721, %select_n3A_1720 : i32
        %select_n3A_1731 = arith.select %and3A_1729, %add3A_1730, %rem3A_1721 : i32
        %mul3A_1732 = arith.constant 64 : i32
        %mul3A_1733 = arith.muli %select_n3A_1731, %mul3A_1732 : i32
        %dma_start3A_1734 = tpu.memref_slice %arg5[%select_n3A_1715, %mul3A_1733] : memref<50x128xi32, #tpu.memory_space<vmem>> -> memref<1x64xi32, #tpu.memory_space<vmem>>
        %dma_start3A_1735 = tpu.memref_squeeze %dma_start3A_1734 : memref<1x64xi32, #tpu.memory_space<vmem>> -> memref<64xi32, #tpu.memory_space<vmem>>
        %dma_start3A_1736 = arith.constant 0 : i32
        %dma_start3A_1737 = arith.constant 0 : i32
        %dma_start3A_1738 = tpu.memref_slice %arg2[%dma_start3A_1736, %dma_start3A_1737] : memref<100000x128xf32, #tpu.memory_space<hbm>> -> memref<100000x128xf32, #tpu.memory_space<hbm>>
        tpu.enqueue_indirect_dma source(%dma_start3A_1738 : memref<100000x128xf32, #tpu.memory_space<hbm>>) target(%arg7 : memref<64x128xf32, #tpu.memory_space<vmem>>) offsets(%dma_start3A_1735 : memref<64xi32, #tpu.memory_space<vmem>>) semaphore(%arg17 : memref<!tpu.dma_semaphore, #tpu.memory_space<semaphore_mem>>)
      } else {
      }
      %add3A_392 = arith.constant 2 : i32
      %add3A_393 = arith.addi %add3A_80, %add3A_392 : i32
      %jit3A_394 = arith.constant 2 : i32
      %div3A_395 = arith.divsi %add3A_393, %jit3A_394 : i32
      %sign3A_396 = arith.constant 0 : i32
      %sign3A_397 = arith.cmpi sgt, %add3A_393, %sign3A_396 : i32
      %sign3A_398 = arith.extui %sign3A_397 : i1 to i32
      %sign3A_399 = arith.constant 0 : i32
      %sign3A_400 = arith.cmpi slt, %add3A_393, %sign3A_399 : i32
      %sign3A_401 = arith.extui %sign3A_400 : i1 to i32
      %sign3A_402 = arith.subi %sign3A_398, %sign3A_401 : i32
      %sign3A_403 = arith.constant 0 : i32
      %sign3A_404 = arith.cmpi sgt, %jit3A_394, %sign3A_403 : i32
      %sign3A_405 = arith.extui %sign3A_404 : i1 to i32
      %sign3A_406 = arith.constant 0 : i32
      %sign3A_407 = arith.cmpi slt, %jit3A_394, %sign3A_406 : i32
      %sign3A_408 = arith.extui %sign3A_407 : i1 to i32
      %sign3A_409 = arith.subi %sign3A_405, %sign3A_408 : i32
      %ne3A_410 = arith.cmpi ne, %sign3A_402, %sign3A_409 : i32
      %rem3A_411 = arith.remsi %add3A_393, %jit3A_394 : i32
      %ne3A_412 = arith.constant 0 : i32
      %ne3A_413 = arith.cmpi ne, %rem3A_411, %ne3A_412 : i32
      %and3A_414 = arith.andi %ne3A_410, %ne3A_413 : i1
      %sub3A_415 = arith.constant 1 : i32
      %sub3A_416 = arith.subi %div3A_395, %sub3A_415 : i32
      %select_n3A_417 = arith.select %and3A_414, %sub3A_416, %div3A_395 : i32
      %jit3A_418 = arith.constant 2 : i32
      %eq3A_419 = arith.constant 0 : i32
      %eq3A_420 = arith.cmpi eq, %jit3A_418, %eq3A_419 : i32
      %jit3A_421 = arith.constant 1 : i32
      %select_n3A_422 = arith.select %eq3A_420, %jit3A_421, %jit3A_418 : i32
      %rem3A_423 = arith.remsi %add3A_393, %select_n3A_422 : i32
      %ne3A_424 = arith.constant 0 : i32
      %ne3A_425 = arith.cmpi ne, %rem3A_423, %ne3A_424 : i32
      %lt3A_426 = arith.constant 0 : i32
      %lt3A_427 = arith.cmpi slt, %rem3A_423, %lt3A_426 : i32
      %lt3A_428 = arith.constant 0 : i32
      %lt3A_429 = arith.cmpi slt, %select_n3A_422, %lt3A_428 : i32
      %ne3A_430 = arith.xori %lt3A_427, %lt3A_429 : i1
      %and3A_431 = arith.andi %ne3A_430, %ne3A_425 : i1
      %add3A_432 = arith.addi %rem3A_423, %select_n3A_422 : i32
      %select_n3A_433 = arith.select %and3A_431, %add3A_432, %rem3A_423 : i32
      %mul3A_434 = arith.constant 64 : i32
      %mul3A_435 = arith.muli %select_n3A_433, %mul3A_434 : i32
      %dma_wait3A_436 = tpu.memref_slice %arg5[%select_n3A_417, %mul3A_435] : memref<50x128xi32, #tpu.memory_space<vmem>> -> memref<1x64xi32, #tpu.memory_space<vmem>>
      %dma_wait3A_437 = tpu.memref_squeeze %dma_wait3A_436 : memref<1x64xi32, #tpu.memory_space<vmem>> -> memref<64xi32, #tpu.memory_space<vmem>>
      %dma_wait3A_438 = arith.constant 0 : i32
      %dma_wait3A_439 = arith.constant 0 : i32
      %dma_wait3A_440 = tpu.memref_slice %arg2[%dma_wait3A_438, %dma_wait3A_439] : memref<100000x128xf32, #tpu.memory_space<hbm>> -> memref<100000x128xf32, #tpu.memory_space<hbm>>
      tpu.wait_indirect_dma semaphore(%arg18 : memref<!tpu.dma_semaphore, #tpu.memory_space<semaphore_mem>>) src(%dma_wait3A_440 : memref<100000x128xf32, #tpu.memory_space<hbm>>) dst(%arg8 : memref<64x128xf32, #tpu.memory_space<vmem>>)
      %add3A_441 = arith.constant 2 : i32
      %add3A_442 = arith.addi %add3A_80, %add3A_441 : i32
      %jit3A_443 = arith.constant 2 : i32
      %div3A_444 = arith.divsi %add3A_442, %jit3A_443 : i32
      %sign3A_445 = arith.constant 0 : i32
      %sign3A_446 = arith.cmpi sgt, %add3A_442, %sign3A_445 : i32
      %sign3A_447 = arith.extui %sign3A_446 : i1 to i32
      %sign3A_448 = arith.constant 0 : i32
      %sign3A_449 = arith.cmpi slt, %add3A_442, %sign3A_448 : i32
      %sign3A_450 = arith.extui %sign3A_449 : i1 to i32
      %sign3A_451 = arith.subi %sign3A_447, %sign3A_450 : i32
      %sign3A_452 = arith.constant 0 : i32
      %sign3A_453 = arith.cmpi sgt, %jit3A_443, %sign3A_452 : i32
      %sign3A_454 = arith.extui %sign3A_453 : i1 to i32
      %sign3A_455 = arith.constant 0 : i32
      %sign3A_456 = arith.cmpi slt, %jit3A_443, %sign3A_455 : i32
      %sign3A_457 = arith.extui %sign3A_456 : i1 to i32
      %sign3A_458 = arith.subi %sign3A_454, %sign3A_457 : i32
      %ne3A_459 = arith.cmpi ne, %sign3A_451, %sign3A_458 : i32
      %rem3A_460 = arith.remsi %add3A_442, %jit3A_443 : i32
      %ne3A_461 = arith.constant 0 : i32
      %ne3A_462 = arith.cmpi ne, %rem3A_460, %ne3A_461 : i32
      %and3A_463 = arith.andi %ne3A_459, %ne3A_462 : i1
      %sub3A_464 = arith.constant 1 : i32
      %sub3A_465 = arith.subi %div3A_444, %sub3A_464 : i32
      %select_n3A_466 = arith.select %and3A_463, %sub3A_465, %div3A_444 : i32
      %jit3A_467 = arith.constant 2 : i32
      %eq3A_468 = arith.constant 0 : i32
      %eq3A_469 = arith.cmpi eq, %jit3A_467, %eq3A_468 : i32
      %jit3A_470 = arith.constant 1 : i32
      %select_n3A_471 = arith.select %eq3A_469, %jit3A_470, %jit3A_467 : i32
      %rem3A_472 = arith.remsi %add3A_442, %select_n3A_471 : i32
      %ne3A_473 = arith.constant 0 : i32
      %ne3A_474 = arith.cmpi ne, %rem3A_472, %ne3A_473 : i32
      %lt3A_475 = arith.constant 0 : i32
      %lt3A_476 = arith.cmpi slt, %rem3A_472, %lt3A_475 : i32
      %lt3A_477 = arith.constant 0 : i32
      %lt3A_478 = arith.cmpi slt, %select_n3A_471, %lt3A_477 : i32
      %ne3A_479 = arith.xori %lt3A_476, %lt3A_478 : i1
      %and3A_480 = arith.andi %ne3A_479, %ne3A_474 : i1
      %add3A_481 = arith.addi %rem3A_472, %select_n3A_471 : i32
      %select_n3A_482 = arith.select %and3A_480, %add3A_481, %rem3A_472 : i32
      %mul3A_483 = arith.constant 64 : i32
      %mul3A_484 = arith.muli %select_n3A_482, %mul3A_483 : i32
      %mul3A_485 = arith.constant 4096 : i32
      %mul3A_486 = arith.muli %select_n3A_466, %mul3A_485 : i32
      %add3A_487 = arith.addi %mul3A_486, %mul3A_2 : i32
      %add3A_488 = arith.addi %add3A_487, %mul3A_484 : i32
      %dma_start3A_489 = arith.constant 0 : i32
      %dma_start3A_490 = tpu.memref_slice %arg4[%add3A_488, %dma_start3A_489] : memref<204800x128xf32, #tpu.memory_space<hbm>> -> memref<64x128xf32, #tpu.memory_space<hbm>>
      %dma_start3A_491 = arith.constant 0 : i32
      %dma_start3A_492 = tpu.memref_slice %arg4[%add3A_488, %dma_start3A_491] : memref<204800x128xf32, #tpu.memory_space<hbm>> -> memref<64x128xf32, #tpu.memory_space<hbm>>
      tpu.enqueue_dma source(%arg8 : memref<64x128xf32, #tpu.memory_space<vmem>>) target(%dma_start3A_492 : memref<64x128xf32, #tpu.memory_space<hbm>>) target_semaphore(%arg28 : memref<!tpu.dma_semaphore, #tpu.memory_space<semaphore_mem>>)
      %add3A_493 = arith.constant 2 : i32
      %add3A_494 = arith.addi %add3A_80, %add3A_493 : i32
      %jit3A_495 = arith.constant 2 : i32
      %div3A_496 = arith.divsi %add3A_494, %jit3A_495 : i32
      %sign3A_497 = arith.constant 0 : i32
      %sign3A_498 = arith.cmpi sgt, %add3A_494, %sign3A_497 : i32
      %sign3A_499 = arith.extui %sign3A_498 : i1 to i32
      %sign3A_500 = arith.constant 0 : i32
      %sign3A_501 = arith.cmpi slt, %add3A_494, %sign3A_500 : i32
      %sign3A_502 = arith.extui %sign3A_501 : i1 to i32
      %sign3A_503 = arith.subi %sign3A_499, %sign3A_502 : i32
      %sign3A_504 = arith.constant 0 : i32
      %sign3A_505 = arith.cmpi sgt, %jit3A_495, %sign3A_504 : i32
      %sign3A_506 = arith.extui %sign3A_505 : i1 to i32
      %sign3A_507 = arith.constant 0 : i32
      %sign3A_508 = arith.cmpi slt, %jit3A_495, %sign3A_507 : i32
      %sign3A_509 = arith.extui %sign3A_508 : i1 to i32
      %sign3A_510 = arith.subi %sign3A_506, %sign3A_509 : i32
      %ne3A_511 = arith.cmpi ne, %sign3A_503, %sign3A_510 : i32
      %rem3A_512 = arith.remsi %add3A_494, %jit3A_495 : i32
      %ne3A_513 = arith.constant 0 : i32
      %ne3A_514 = arith.cmpi ne, %rem3A_512, %ne3A_513 : i32
      %and3A_515 = arith.andi %ne3A_511, %ne3A_514 : i1
      %sub3A_516 = arith.constant 1 : i32
      %sub3A_517 = arith.subi %div3A_496, %sub3A_516 : i32
      %select_n3A_518 = arith.select %and3A_515, %sub3A_517, %div3A_496 : i32
      %jit3A_519 = arith.constant 2 : i32
      %eq3A_520 = arith.constant 0 : i32
      %eq3A_521 = arith.cmpi eq, %jit3A_519, %eq3A_520 : i32
      %jit3A_522 = arith.constant 1 : i32
      %select_n3A_523 = arith.select %eq3A_521, %jit3A_522, %jit3A_519 : i32
      %rem3A_524 = arith.remsi %add3A_494, %select_n3A_523 : i32
      %ne3A_525 = arith.constant 0 : i32
      %ne3A_526 = arith.cmpi ne, %rem3A_524, %ne3A_525 : i32
      %lt3A_527 = arith.constant 0 : i32
      %lt3A_528 = arith.cmpi slt, %rem3A_524, %lt3A_527 : i32
      %lt3A_529 = arith.constant 0 : i32
      %lt3A_530 = arith.cmpi slt, %select_n3A_523, %lt3A_529 : i32
      %ne3A_531 = arith.xori %lt3A_528, %lt3A_530 : i1
      %and3A_532 = arith.andi %ne3A_531, %ne3A_526 : i1
      %add3A_533 = arith.addi %rem3A_524, %select_n3A_523 : i32
      %select_n3A_534 = arith.select %and3A_532, %add3A_533, %rem3A_524 : i32
      %mul3A_535 = arith.constant 64 : i32
      %mul3A_536 = arith.muli %select_n3A_534, %mul3A_535 : i32
      %mul3A_537 = arith.constant 4096 : i32
      %mul3A_538 = arith.muli %select_n3A_518, %mul3A_537 : i32
      %add3A_539 = arith.addi %mul3A_538, %mul3A_2 : i32
      %add3A_540 = arith.addi %add3A_539, %mul3A_536 : i32
      %dma_wait3A_541 = arith.constant 0 : i32
      %dma_wait3A_542 = tpu.memref_slice %arg4[%add3A_540, %dma_wait3A_541] : memref<204800x128xf32, #tpu.memory_space<hbm>> -> memref<64x128xf32, #tpu.memory_space<hbm>>
      %dma_wait3A_543 = arith.constant 0 : i32
      %dma_wait3A_544 = tpu.memref_slice %arg4[%add3A_540, %dma_wait3A_543] : memref<204800x128xf32, #tpu.memory_space<hbm>> -> memref<64x128xf32, #tpu.memory_space<hbm>>
      tpu.wait_dma2 semaphore(%arg28 : memref<!tpu.dma_semaphore, #tpu.memory_space<semaphore_mem>>) src(%arg8 : memref<64x128xf32, #tpu.memory_space<vmem>>) dst(%dma_wait3A_544 : memref<64x128xf32, #tpu.memory_space<hbm>>)
      %add3A_545 = arith.constant 2 : i32
      %add3A_546 = arith.addi %add3A_80, %add3A_545 : i32
      %add3A_547 = arith.constant 10 : i32
      %add3A_548 = arith.addi %add3A_546, %add3A_547 : i32
      %lt3A_549 = arith.constant 100 : i32
      %lt3A_550 = arith.cmpi slt, %add3A_548, %lt3A_549 : i32
      %convert_element_type3A_551 = arith.extui %lt3A_550 : i1 to i32
      %cond3A_552 = arith.constant 0 : i32
      %cond3A_553 = arith.cmpi ne, %convert_element_type3A_551, %cond3A_552 : i32
      scf.if %cond3A_553 {
        %add3A_1688 = arith.constant 2 : i32
        %add3A_1689 = arith.addi %add3A_80, %add3A_1688 : i32
        %add3A_1690 = arith.constant 10 : i32
        %add3A_1691 = arith.addi %add3A_1689, %add3A_1690 : i32
        %jit3A_1692 = arith.constant 2 : i32
        %div3A_1693 = arith.divsi %add3A_1691, %jit3A_1692 : i32
        %sign3A_1694 = arith.constant 0 : i32
        %sign3A_1695 = arith.cmpi sgt, %add3A_1691, %sign3A_1694 : i32
        %sign3A_1696 = arith.extui %sign3A_1695 : i1 to i32
        %sign3A_1697 = arith.constant 0 : i32
        %sign3A_1698 = arith.cmpi slt, %add3A_1691, %sign3A_1697 : i32
        %sign3A_1699 = arith.extui %sign3A_1698 : i1 to i32
        %sign3A_1700 = arith.subi %sign3A_1696, %sign3A_1699 : i32
        %sign3A_1701 = arith.constant 0 : i32
        %sign3A_1702 = arith.cmpi sgt, %jit3A_1692, %sign3A_1701 : i32
        %sign3A_1703 = arith.extui %sign3A_1702 : i1 to i32
        %sign3A_1704 = arith.constant 0 : i32
        %sign3A_1705 = arith.cmpi slt, %jit3A_1692, %sign3A_1704 : i32
        %sign3A_1706 = arith.extui %sign3A_1705 : i1 to i32
        %sign3A_1707 = arith.subi %sign3A_1703, %sign3A_1706 : i32
        %ne3A_1708 = arith.cmpi ne, %sign3A_1700, %sign3A_1707 : i32
        %rem3A_1709 = arith.remsi %add3A_1691, %jit3A_1692 : i32
        %ne3A_1710 = arith.constant 0 : i32
        %ne3A_1711 = arith.cmpi ne, %rem3A_1709, %ne3A_1710 : i32
        %and3A_1712 = arith.andi %ne3A_1708, %ne3A_1711 : i1
        %sub3A_1713 = arith.constant 1 : i32
        %sub3A_1714 = arith.subi %div3A_1693, %sub3A_1713 : i32
        %select_n3A_1715 = arith.select %and3A_1712, %sub3A_1714, %div3A_1693 : i32
        %jit3A_1716 = arith.constant 2 : i32
        %eq3A_1717 = arith.constant 0 : i32
        %eq3A_1718 = arith.cmpi eq, %jit3A_1716, %eq3A_1717 : i32
        %jit3A_1719 = arith.constant 1 : i32
        %select_n3A_1720 = arith.select %eq3A_1718, %jit3A_1719, %jit3A_1716 : i32
        %rem3A_1721 = arith.remsi %add3A_1691, %select_n3A_1720 : i32
        %ne3A_1722 = arith.constant 0 : i32
        %ne3A_1723 = arith.cmpi ne, %rem3A_1721, %ne3A_1722 : i32
        %lt3A_1724 = arith.constant 0 : i32
        %lt3A_1725 = arith.cmpi slt, %rem3A_1721, %lt3A_1724 : i32
        %lt3A_1726 = arith.constant 0 : i32
        %lt3A_1727 = arith.cmpi slt, %select_n3A_1720, %lt3A_1726 : i32
        %ne3A_1728 = arith.xori %lt3A_1725, %lt3A_1727 : i1
        %and3A_1729 = arith.andi %ne3A_1728, %ne3A_1723 : i1
        %add3A_1730 = arith.addi %rem3A_1721, %select_n3A_1720 : i32
        %select_n3A_1731 = arith.select %and3A_1729, %add3A_1730, %rem3A_1721 : i32
        %mul3A_1732 = arith.constant 64 : i32
        %mul3A_1733 = arith.muli %select_n3A_1731, %mul3A_1732 : i32
        %dma_start3A_1734 = tpu.memref_slice %arg5[%select_n3A_1715, %mul3A_1733] : memref<50x128xi32, #tpu.memory_space<vmem>> -> memref<1x64xi32, #tpu.memory_space<vmem>>
        %dma_start3A_1735 = tpu.memref_squeeze %dma_start3A_1734 : memref<1x64xi32, #tpu.memory_space<vmem>> -> memref<64xi32, #tpu.memory_space<vmem>>
        %dma_start3A_1736 = arith.constant 0 : i32
        %dma_start3A_1737 = arith.constant 0 : i32
        %dma_start3A_1738 = tpu.memref_slice %arg2[%dma_start3A_1736, %dma_start3A_1737] : memref<100000x128xf32, #tpu.memory_space<hbm>> -> memref<100000x128xf32, #tpu.memory_space<hbm>>
        tpu.enqueue_indirect_dma source(%dma_start3A_1738 : memref<100000x128xf32, #tpu.memory_space<hbm>>) target(%arg8 : memref<64x128xf32, #tpu.memory_space<vmem>>) offsets(%dma_start3A_1735 : memref<64xi32, #tpu.memory_space<vmem>>) semaphore(%arg18 : memref<!tpu.dma_semaphore, #tpu.memory_space<semaphore_mem>>)
      } else {
      }
      %add3A_554 = arith.constant 3 : i32
      %add3A_555 = arith.addi %add3A_80, %add3A_554 : i32
      %jit3A_556 = arith.constant 2 : i32
      %div3A_557 = arith.divsi %add3A_555, %jit3A_556 : i32
      %sign3A_558 = arith.constant 0 : i32
      %sign3A_559 = arith.cmpi sgt, %add3A_555, %sign3A_558 : i32
      %sign3A_560 = arith.extui %sign3A_559 : i1 to i32
      %sign3A_561 = arith.constant 0 : i32
      %sign3A_562 = arith.cmpi slt, %add3A_555, %sign3A_561 : i32
      %sign3A_563 = arith.extui %sign3A_562 : i1 to i32
      %sign3A_564 = arith.subi %sign3A_560, %sign3A_563 : i32
      %sign3A_565 = arith.constant 0 : i32
      %sign3A_566 = arith.cmpi sgt, %jit3A_556, %sign3A_565 : i32
      %sign3A_567 = arith.extui %sign3A_566 : i1 to i32
      %sign3A_568 = arith.constant 0 : i32
      %sign3A_569 = arith.cmpi slt, %jit3A_556, %sign3A_568 : i32
      %sign3A_570 = arith.extui %sign3A_569 : i1 to i32
      %sign3A_571 = arith.subi %sign3A_567, %sign3A_570 : i32
      %ne3A_572 = arith.cmpi ne, %sign3A_564, %sign3A_571 : i32
      %rem3A_573 = arith.remsi %add3A_555, %jit3A_556 : i32
      %ne3A_574 = arith.constant 0 : i32
      %ne3A_575 = arith.cmpi ne, %rem3A_573, %ne3A_574 : i32
      %and3A_576 = arith.andi %ne3A_572, %ne3A_575 : i1
      %sub3A_577 = arith.constant 1 : i32
      %sub3A_578 = arith.subi %div3A_557, %sub3A_577 : i32
      %select_n3A_579 = arith.select %and3A_576, %sub3A_578, %div3A_557 : i32
      %jit3A_580 = arith.constant 2 : i32
      %eq3A_581 = arith.constant 0 : i32
      %eq3A_582 = arith.cmpi eq, %jit3A_580, %eq3A_581 : i32
      %jit3A_583 = arith.constant 1 : i32
      %select_n3A_584 = arith.select %eq3A_582, %jit3A_583, %jit3A_580 : i32
      %rem3A_585 = arith.remsi %add3A_555, %select_n3A_584 : i32
      %ne3A_586 = arith.constant 0 : i32
      %ne3A_587 = arith.cmpi ne, %rem3A_585, %ne3A_586 : i32
      %lt3A_588 = arith.constant 0 : i32
      %lt3A_589 = arith.cmpi slt, %rem3A_585, %lt3A_588 : i32
      %lt3A_590 = arith.constant 0 : i32
      %lt3A_591 = arith.cmpi slt, %select_n3A_584, %lt3A_590 : i32
      %ne3A_592 = arith.xori %lt3A_589, %lt3A_591 : i1
      %and3A_593 = arith.andi %ne3A_592, %ne3A_587 : i1
      %add3A_594 = arith.addi %rem3A_585, %select_n3A_584 : i32
      %select_n3A_595 = arith.select %and3A_593, %add3A_594, %rem3A_585 : i32
      %mul3A_596 = arith.constant 64 : i32
      %mul3A_597 = arith.muli %select_n3A_595, %mul3A_596 : i32
      %dma_wait3A_598 = tpu.memref_slice %arg5[%select_n3A_579, %mul3A_597] : memref<50x128xi32, #tpu.memory_space<vmem>> -> memref<1x64xi32, #tpu.memory_space<vmem>>
      %dma_wait3A_599 = tpu.memref_squeeze %dma_wait3A_598 : memref<1x64xi32, #tpu.memory_space<vmem>> -> memref<64xi32, #tpu.memory_space<vmem>>
      %dma_wait3A_600 = arith.constant 0 : i32
      %dma_wait3A_601 = arith.constant 0 : i32
      %dma_wait3A_602 = tpu.memref_slice %arg2[%dma_wait3A_600, %dma_wait3A_601] : memref<100000x128xf32, #tpu.memory_space<hbm>> -> memref<100000x128xf32, #tpu.memory_space<hbm>>
      tpu.wait_indirect_dma semaphore(%arg19 : memref<!tpu.dma_semaphore, #tpu.memory_space<semaphore_mem>>) src(%dma_wait3A_602 : memref<100000x128xf32, #tpu.memory_space<hbm>>) dst(%arg9 : memref<64x128xf32, #tpu.memory_space<vmem>>)
      %add3A_603 = arith.constant 3 : i32
      %add3A_604 = arith.addi %add3A_80, %add3A_603 : i32
      %jit3A_605 = arith.constant 2 : i32
      %div3A_606 = arith.divsi %add3A_604, %jit3A_605 : i32
      %sign3A_607 = arith.constant 0 : i32
      %sign3A_608 = arith.cmpi sgt, %add3A_604, %sign3A_607 : i32
      %sign3A_609 = arith.extui %sign3A_608 : i1 to i32
      %sign3A_610 = arith.constant 0 : i32
      %sign3A_611 = arith.cmpi slt, %add3A_604, %sign3A_610 : i32
      %sign3A_612 = arith.extui %sign3A_611 : i1 to i32
      %sign3A_613 = arith.subi %sign3A_609, %sign3A_612 : i32
      %sign3A_614 = arith.constant 0 : i32
      %sign3A_615 = arith.cmpi sgt, %jit3A_605, %sign3A_614 : i32
      %sign3A_616 = arith.extui %sign3A_615 : i1 to i32
      %sign3A_617 = arith.constant 0 : i32
      %sign3A_618 = arith.cmpi slt, %jit3A_605, %sign3A_617 : i32
      %sign3A_619 = arith.extui %sign3A_618 : i1 to i32
      %sign3A_620 = arith.subi %sign3A_616, %sign3A_619 : i32
      %ne3A_621 = arith.cmpi ne, %sign3A_613, %sign3A_620 : i32
      %rem3A_622 = arith.remsi %add3A_604, %jit3A_605 : i32
      %ne3A_623 = arith.constant 0 : i32
      %ne3A_624 = arith.cmpi ne, %rem3A_622, %ne3A_623 : i32
      %and3A_625 = arith.andi %ne3A_621, %ne3A_624 : i1
      %sub3A_626 = arith.constant 1 : i32
      %sub3A_627 = arith.subi %div3A_606, %sub3A_626 : i32
      %select_n3A_628 = arith.select %and3A_625, %sub3A_627, %div3A_606 : i32
      %jit3A_629 = arith.constant 2 : i32
      %eq3A_630 = arith.constant 0 : i32
      %eq3A_631 = arith.cmpi eq, %jit3A_629, %eq3A_630 : i32
      %jit3A_632 = arith.constant 1 : i32
      %select_n3A_633 = arith.select %eq3A_631, %jit3A_632, %jit3A_629 : i32
      %rem3A_634 = arith.remsi %add3A_604, %select_n3A_633 : i32
      %ne3A_635 = arith.constant 0 : i32
      %ne3A_636 = arith.cmpi ne, %rem3A_634, %ne3A_635 : i32
      %lt3A_637 = arith.constant 0 : i32
      %lt3A_638 = arith.cmpi slt, %rem3A_634, %lt3A_637 : i32
      %lt3A_639 = arith.constant 0 : i32
      %lt3A_640 = arith.cmpi slt, %select_n3A_633, %lt3A_639 : i32
      %ne3A_641 = arith.xori %lt3A_638, %lt3A_640 : i1
      %and3A_642 = arith.andi %ne3A_641, %ne3A_636 : i1
      %add3A_643 = arith.addi %rem3A_634, %select_n3A_633 : i32
      %select_n3A_644 = arith.select %and3A_642, %add3A_643, %rem3A_634 : i32
      %mul3A_645 = arith.constant 64 : i32
      %mul3A_646 = arith.muli %select_n3A_644, %mul3A_645 : i32
      %mul3A_647 = arith.constant 4096 : i32
      %mul3A_648 = arith.muli %select_n3A_628, %mul3A_647 : i32
      %add3A_649 = arith.addi %mul3A_648, %mul3A_2 : i32
      %add3A_650 = arith.addi %add3A_649, %mul3A_646 : i32
      %dma_start3A_651 = arith.constant 0 : i32
      %dma_start3A_652 = tpu.memref_slice %arg4[%add3A_650, %dma_start3A_651] : memref<204800x128xf32, #tpu.memory_space<hbm>> -> memref<64x128xf32, #tpu.memory_space<hbm>>
      %dma_start3A_653 = arith.constant 0 : i32
      %dma_start3A_654 = tpu.memref_slice %arg4[%add3A_650, %dma_start3A_653] : memref<204800x128xf32, #tpu.memory_space<hbm>> -> memref<64x128xf32, #tpu.memory_space<hbm>>
      tpu.enqueue_dma source(%arg9 : memref<64x128xf32, #tpu.memory_space<vmem>>) target(%dma_start3A_654 : memref<64x128xf32, #tpu.memory_space<hbm>>) target_semaphore(%arg29 : memref<!tpu.dma_semaphore, #tpu.memory_space<semaphore_mem>>)
      %add3A_655 = arith.constant 3 : i32
      %add3A_656 = arith.addi %add3A_80, %add3A_655 : i32
      %jit3A_657 = arith.constant 2 : i32
      %div3A_658 = arith.divsi %add3A_656, %jit3A_657 : i32
      %sign3A_659 = arith.constant 0 : i32
      %sign3A_660 = arith.cmpi sgt, %add3A_656, %sign3A_659 : i32
      %sign3A_661 = arith.extui %sign3A_660 : i1 to i32
      %sign3A_662 = arith.constant 0 : i32
      %sign3A_663 = arith.cmpi slt, %add3A_656, %sign3A_662 : i32
      %sign3A_664 = arith.extui %sign3A_663 : i1 to i32
      %sign3A_665 = arith.subi %sign3A_661, %sign3A_664 : i32
      %sign3A_666 = arith.constant 0 : i32
      %sign3A_667 = arith.cmpi sgt, %jit3A_657, %sign3A_666 : i32
      %sign3A_668 = arith.extui %sign3A_667 : i1 to i32
      %sign3A_669 = arith.constant 0 : i32
      %sign3A_670 = arith.cmpi slt, %jit3A_657, %sign3A_669 : i32
      %sign3A_671 = arith.extui %sign3A_670 : i1 to i32
      %sign3A_672 = arith.subi %sign3A_668, %sign3A_671 : i32
      %ne3A_673 = arith.cmpi ne, %sign3A_665, %sign3A_672 : i32
      %rem3A_674 = arith.remsi %add3A_656, %jit3A_657 : i32
      %ne3A_675 = arith.constant 0 : i32
      %ne3A_676 = arith.cmpi ne, %rem3A_674, %ne3A_675 : i32
      %and3A_677 = arith.andi %ne3A_673, %ne3A_676 : i1
      %sub3A_678 = arith.constant 1 : i32
      %sub3A_679 = arith.subi %div3A_658, %sub3A_678 : i32
      %select_n3A_680 = arith.select %and3A_677, %sub3A_679, %div3A_658 : i32
      %jit3A_681 = arith.constant 2 : i32
      %eq3A_682 = arith.constant 0 : i32
      %eq3A_683 = arith.cmpi eq, %jit3A_681, %eq3A_682 : i32
      %jit3A_684 = arith.constant 1 : i32
      %select_n3A_685 = arith.select %eq3A_683, %jit3A_684, %jit3A_681 : i32
      %rem3A_686 = arith.remsi %add3A_656, %select_n3A_685 : i32
      %ne3A_687 = arith.constant 0 : i32
      %ne3A_688 = arith.cmpi ne, %rem3A_686, %ne3A_687 : i32
      %lt3A_689 = arith.constant 0 : i32
      %lt3A_690 = arith.cmpi slt, %rem3A_686, %lt3A_689 : i32
      %lt3A_691 = arith.constant 0 : i32
      %lt3A_692 = arith.cmpi slt, %select_n3A_685, %lt3A_691 : i32
      %ne3A_693 = arith.xori %lt3A_690, %lt3A_692 : i1
      %and3A_694 = arith.andi %ne3A_693, %ne3A_688 : i1
      %add3A_695 = arith.addi %rem3A_686, %select_n3A_685 : i32
      %select_n3A_696 = arith.select %and3A_694, %add3A_695, %rem3A_686 : i32
      %mul3A_697 = arith.constant 64 : i32
      %mul3A_698 = arith.muli %select_n3A_696, %mul3A_697 : i32
      %mul3A_699 = arith.constant 4096 : i32
      %mul3A_700 = arith.muli %select_n3A_680, %mul3A_699 : i32
      %add3A_701 = arith.addi %mul3A_700, %mul3A_2 : i32
      %add3A_702 = arith.addi %add3A_701, %mul3A_698 : i32
      %dma_wait3A_703 = arith.constant 0 : i32
      %dma_wait3A_704 = tpu.memref_slice %arg4[%add3A_702, %dma_wait3A_703] : memref<204800x128xf32, #tpu.memory_space<hbm>> -> memref<64x128xf32, #tpu.memory_space<hbm>>
      %dma_wait3A_705 = arith.constant 0 : i32
      %dma_wait3A_706 = tpu.memref_slice %arg4[%add3A_702, %dma_wait3A_705] : memref<204800x128xf32, #tpu.memory_space<hbm>> -> memref<64x128xf32, #tpu.memory_space<hbm>>
      tpu.wait_dma2 semaphore(%arg29 : memref<!tpu.dma_semaphore, #tpu.memory_space<semaphore_mem>>) src(%arg9 : memref<64x128xf32, #tpu.memory_space<vmem>>) dst(%dma_wait3A_706 : memref<64x128xf32, #tpu.memory_space<hbm>>)
      %add3A_707 = arith.constant 3 : i32
      %add3A_708 = arith.addi %add3A_80, %add3A_707 : i32
      %add3A_709 = arith.constant 10 : i32
      %add3A_710 = arith.addi %add3A_708, %add3A_709 : i32
      %lt3A_711 = arith.constant 100 : i32
      %lt3A_712 = arith.cmpi slt, %add3A_710, %lt3A_711 : i32
      %convert_element_type3A_713 = arith.extui %lt3A_712 : i1 to i32
      %cond3A_714 = arith.constant 0 : i32
      %cond3A_715 = arith.cmpi ne, %convert_element_type3A_713, %cond3A_714 : i32
      scf.if %cond3A_715 {
        %add3A_1688 = arith.constant 3 : i32
        %add3A_1689 = arith.addi %add3A_80, %add3A_1688 : i32
        %add3A_1690 = arith.constant 10 : i32
        %add3A_1691 = arith.addi %add3A_1689, %add3A_1690 : i32
        %jit3A_1692 = arith.constant 2 : i32
        %div3A_1693 = arith.divsi %add3A_1691, %jit3A_1692 : i32
        %sign3A_1694 = arith.constant 0 : i32
        %sign3A_1695 = arith.cmpi sgt, %add3A_1691, %sign3A_1694 : i32
        %sign3A_1696 = arith.extui %sign3A_1695 : i1 to i32
        %sign3A_1697 = arith.constant 0 : i32
        %sign3A_1698 = arith.cmpi slt, %add3A_1691, %sign3A_1697 : i32
        %sign3A_1699 = arith.extui %sign3A_1698 : i1 to i32
        %sign3A_1700 = arith.subi %sign3A_1696, %sign3A_1699 : i32
        %sign3A_1701 = arith.constant 0 : i32
        %sign3A_1702 = arith.cmpi sgt, %jit3A_1692, %sign3A_1701 : i32
        %sign3A_1703 = arith.extui %sign3A_1702 : i1 to i32
        %sign3A_1704 = arith.constant 0 : i32
        %sign3A_1705 = arith.cmpi slt, %jit3A_1692, %sign3A_1704 : i32
        %sign3A_1706 = arith.extui %sign3A_1705 : i1 to i32
        %sign3A_1707 = arith.subi %sign3A_1703, %sign3A_1706 : i32
        %ne3A_1708 = arith.cmpi ne, %sign3A_1700, %sign3A_1707 : i32
        %rem3A_1709 = arith.remsi %add3A_1691, %jit3A_1692 : i32
        %ne3A_1710 = arith.constant 0 : i32
        %ne3A_1711 = arith.cmpi ne, %rem3A_1709, %ne3A_1710 : i32
        %and3A_1712 = arith.andi %ne3A_1708, %ne3A_1711 : i1
        %sub3A_1713 = arith.constant 1 : i32
        %sub3A_1714 = arith.subi %div3A_1693, %sub3A_1713 : i32
        %select_n3A_1715 = arith.select %and3A_1712, %sub3A_1714, %div3A_1693 : i32
        %jit3A_1716 = arith.constant 2 : i32
        %eq3A_1717 = arith.constant 0 : i32
        %eq3A_1718 = arith.cmpi eq, %jit3A_1716, %eq3A_1717 : i32
        %jit3A_1719 = arith.constant 1 : i32
        %select_n3A_1720 = arith.select %eq3A_1718, %jit3A_1719, %jit3A_1716 : i32
        %rem3A_1721 = arith.remsi %add3A_1691, %select_n3A_1720 : i32
        %ne3A_1722 = arith.constant 0 : i32
        %ne3A_1723 = arith.cmpi ne, %rem3A_1721, %ne3A_1722 : i32
        %lt3A_1724 = arith.constant 0 : i32
        %lt3A_1725 = arith.cmpi slt, %rem3A_1721, %lt3A_1724 : i32
        %lt3A_1726 = arith.constant 0 : i32
        %lt3A_1727 = arith.cmpi slt, %select_n3A_1720, %lt3A_1726 : i32
        %ne3A_1728 = arith.xori %lt3A_1725, %lt3A_1727 : i1
        %and3A_1729 = arith.andi %ne3A_1728, %ne3A_1723 : i1
        %add3A_1730 = arith.addi %rem3A_1721, %select_n3A_1720 : i32
        %select_n3A_1731 = arith.select %and3A_1729, %add3A_1730, %rem3A_1721 : i32
        %mul3A_1732 = arith.constant 64 : i32
        %mul3A_1733 = arith.muli %select_n3A_1731, %mul3A_1732 : i32
        %dma_start3A_1734 = tpu.memref_slice %arg5[%select_n3A_1715, %mul3A_1733] : memref<50x128xi32, #tpu.memory_space<vmem>> -> memref<1x64xi32, #tpu.memory_space<vmem>>
        %dma_start3A_1735 = tpu.memref_squeeze %dma_start3A_1734 : memref<1x64xi32, #tpu.memory_space<vmem>> -> memref<64xi32, #tpu.memory_space<vmem>>
        %dma_start3A_1736 = arith.constant 0 : i32
        %dma_start3A_1737 = arith.constant 0 : i32
        %dma_start3A_1738 = tpu.memref_slice %arg2[%dma_start3A_1736, %dma_start3A_1737] : memref<100000x128xf32, #tpu.memory_space<hbm>> -> memref<100000x128xf32, #tpu.memory_space<hbm>>
        tpu.enqueue_indirect_dma source(%dma_start3A_1738 : memref<100000x128xf32, #tpu.memory_space<hbm>>) target(%arg9 : memref<64x128xf32, #tpu.memory_space<vmem>>) offsets(%dma_start3A_1735 : memref<64xi32, #tpu.memory_space<vmem>>) semaphore(%arg19 : memref<!tpu.dma_semaphore, #tpu.memory_space<semaphore_mem>>)
      } else {
      }
      %add3A_716 = arith.constant 4 : i32
      %add3A_717 = arith.addi %add3A_80, %add3A_716 : i32
      %jit3A_718 = arith.constant 2 : i32
      %div3A_719 = arith.divsi %add3A_717, %jit3A_718 : i32
      %sign3A_720 = arith.constant 0 : i32
      %sign3A_721 = arith.cmpi sgt, %add3A_717, %sign3A_720 : i32
      %sign3A_722 = arith.extui %sign3A_721 : i1 to i32
      %sign3A_723 = arith.constant 0 : i32
      %sign3A_724 = arith.cmpi slt, %add3A_717, %sign3A_723 : i32
      %sign3A_725 = arith.extui %sign3A_724 : i1 to i32
      %sign3A_726 = arith.subi %sign3A_722, %sign3A_725 : i32
      %sign3A_727 = arith.constant 0 : i32
      %sign3A_728 = arith.cmpi sgt, %jit3A_718, %sign3A_727 : i32
      %sign3A_729 = arith.extui %sign3A_728 : i1 to i32
      %sign3A_730 = arith.constant 0 : i32
      %sign3A_731 = arith.cmpi slt, %jit3A_718, %sign3A_730 : i32
      %sign3A_732 = arith.extui %sign3A_731 : i1 to i32
      %sign3A_733 = arith.subi %sign3A_729, %sign3A_732 : i32
      %ne3A_734 = arith.cmpi ne, %sign3A_726, %sign3A_733 : i32
      %rem3A_735 = arith.remsi %add3A_717, %jit3A_718 : i32
      %ne3A_736 = arith.constant 0 : i32
      %ne3A_737 = arith.cmpi ne, %rem3A_735, %ne3A_736 : i32
      %and3A_738 = arith.andi %ne3A_734, %ne3A_737 : i1
      %sub3A_739 = arith.constant 1 : i32
      %sub3A_740 = arith.subi %div3A_719, %sub3A_739 : i32
      %select_n3A_741 = arith.select %and3A_738, %sub3A_740, %div3A_719 : i32
      %jit3A_742 = arith.constant 2 : i32
      %eq3A_743 = arith.constant 0 : i32
      %eq3A_744 = arith.cmpi eq, %jit3A_742, %eq3A_743 : i32
      %jit3A_745 = arith.constant 1 : i32
      %select_n3A_746 = arith.select %eq3A_744, %jit3A_745, %jit3A_742 : i32
      %rem3A_747 = arith.remsi %add3A_717, %select_n3A_746 : i32
      %ne3A_748 = arith.constant 0 : i32
      %ne3A_749 = arith.cmpi ne, %rem3A_747, %ne3A_748 : i32
      %lt3A_750 = arith.constant 0 : i32
      %lt3A_751 = arith.cmpi slt, %rem3A_747, %lt3A_750 : i32
      %lt3A_752 = arith.constant 0 : i32
      %lt3A_753 = arith.cmpi slt, %select_n3A_746, %lt3A_752 : i32
      %ne3A_754 = arith.xori %lt3A_751, %lt3A_753 : i1
      %and3A_755 = arith.andi %ne3A_754, %ne3A_749 : i1
      %add3A_756 = arith.addi %rem3A_747, %select_n3A_746 : i32
      %select_n3A_757 = arith.select %and3A_755, %add3A_756, %rem3A_747 : i32
      %mul3A_758 = arith.constant 64 : i32
      %mul3A_759 = arith.muli %select_n3A_757, %mul3A_758 : i32
      %dma_wait3A_760 = tpu.memref_slice %arg5[%select_n3A_741, %mul3A_759] : memref<50x128xi32, #tpu.memory_space<vmem>> -> memref<1x64xi32, #tpu.memory_space<vmem>>
      %dma_wait3A_761 = tpu.memref_squeeze %dma_wait3A_760 : memref<1x64xi32, #tpu.memory_space<vmem>> -> memref<64xi32, #tpu.memory_space<vmem>>
      %dma_wait3A_762 = arith.constant 0 : i32
      %dma_wait3A_763 = arith.constant 0 : i32
      %dma_wait3A_764 = tpu.memref_slice %arg2[%dma_wait3A_762, %dma_wait3A_763] : memref<100000x128xf32, #tpu.memory_space<hbm>> -> memref<100000x128xf32, #tpu.memory_space<hbm>>
      tpu.wait_indirect_dma semaphore(%arg20 : memref<!tpu.dma_semaphore, #tpu.memory_space<semaphore_mem>>) src(%dma_wait3A_764 : memref<100000x128xf32, #tpu.memory_space<hbm>>) dst(%arg10 : memref<64x128xf32, #tpu.memory_space<vmem>>)
      %add3A_765 = arith.constant 4 : i32
      %add3A_766 = arith.addi %add3A_80, %add3A_765 : i32
      %jit3A_767 = arith.constant 2 : i32
      %div3A_768 = arith.divsi %add3A_766, %jit3A_767 : i32
      %sign3A_769 = arith.constant 0 : i32
      %sign3A_770 = arith.cmpi sgt, %add3A_766, %sign3A_769 : i32
      %sign3A_771 = arith.extui %sign3A_770 : i1 to i32
      %sign3A_772 = arith.constant 0 : i32
      %sign3A_773 = arith.cmpi slt, %add3A_766, %sign3A_772 : i32
      %sign3A_774 = arith.extui %sign3A_773 : i1 to i32
      %sign3A_775 = arith.subi %sign3A_771, %sign3A_774 : i32
      %sign3A_776 = arith.constant 0 : i32
      %sign3A_777 = arith.cmpi sgt, %jit3A_767, %sign3A_776 : i32
      %sign3A_778 = arith.extui %sign3A_777 : i1 to i32
      %sign3A_779 = arith.constant 0 : i32
      %sign3A_780 = arith.cmpi slt, %jit3A_767, %sign3A_779 : i32
      %sign3A_781 = arith.extui %sign3A_780 : i1 to i32
      %sign3A_782 = arith.subi %sign3A_778, %sign3A_781 : i32
      %ne3A_783 = arith.cmpi ne, %sign3A_775, %sign3A_782 : i32
      %rem3A_784 = arith.remsi %add3A_766, %jit3A_767 : i32
      %ne3A_785 = arith.constant 0 : i32
      %ne3A_786 = arith.cmpi ne, %rem3A_784, %ne3A_785 : i32
      %and3A_787 = arith.andi %ne3A_783, %ne3A_786 : i1
      %sub3A_788 = arith.constant 1 : i32
      %sub3A_789 = arith.subi %div3A_768, %sub3A_788 : i32
      %select_n3A_790 = arith.select %and3A_787, %sub3A_789, %div3A_768 : i32
      %jit3A_791 = arith.constant 2 : i32
      %eq3A_792 = arith.constant 0 : i32
      %eq3A_793 = arith.cmpi eq, %jit3A_791, %eq3A_792 : i32
      %jit3A_794 = arith.constant 1 : i32
      %select_n3A_795 = arith.select %eq3A_793, %jit3A_794, %jit3A_791 : i32
      %rem3A_796 = arith.remsi %add3A_766, %select_n3A_795 : i32
      %ne3A_797 = arith.constant 0 : i32
      %ne3A_798 = arith.cmpi ne, %rem3A_796, %ne3A_797 : i32
      %lt3A_799 = arith.constant 0 : i32
      %lt3A_800 = arith.cmpi slt, %rem3A_796, %lt3A_799 : i32
      %lt3A_801 = arith.constant 0 : i32
      %lt3A_802 = arith.cmpi slt, %select_n3A_795, %lt3A_801 : i32
      %ne3A_803 = arith.xori %lt3A_800, %lt3A_802 : i1
      %and3A_804 = arith.andi %ne3A_803, %ne3A_798 : i1
      %add3A_805 = arith.addi %rem3A_796, %select_n3A_795 : i32
      %select_n3A_806 = arith.select %and3A_804, %add3A_805, %rem3A_796 : i32
      %mul3A_807 = arith.constant 64 : i32
      %mul3A_808 = arith.muli %select_n3A_806, %mul3A_807 : i32
      %mul3A_809 = arith.constant 4096 : i32
      %mul3A_810 = arith.muli %select_n3A_790, %mul3A_809 : i32
      %add3A_811 = arith.addi %mul3A_810, %mul3A_2 : i32
      %add3A_812 = arith.addi %add3A_811, %mul3A_808 : i32
      %dma_start3A_813 = arith.constant 0 : i32
      %dma_start3A_814 = tpu.memref_slice %arg4[%add3A_812, %dma_start3A_813] : memref<204800x128xf32, #tpu.memory_space<hbm>> -> memref<64x128xf32, #tpu.memory_space<hbm>>
      %dma_start3A_815 = arith.constant 0 : i32
      %dma_start3A_816 = tpu.memref_slice %arg4[%add3A_812, %dma_start3A_815] : memref<204800x128xf32, #tpu.memory_space<hbm>> -> memref<64x128xf32, #tpu.memory_space<hbm>>
      tpu.enqueue_dma source(%arg10 : memref<64x128xf32, #tpu.memory_space<vmem>>) target(%dma_start3A_816 : memref<64x128xf32, #tpu.memory_space<hbm>>) target_semaphore(%arg30 : memref<!tpu.dma_semaphore, #tpu.memory_space<semaphore_mem>>)
      %add3A_817 = arith.constant 4 : i32
      %add3A_818 = arith.addi %add3A_80, %add3A_817 : i32
      %jit3A_819 = arith.constant 2 : i32
      %div3A_820 = arith.divsi %add3A_818, %jit3A_819 : i32
      %sign3A_821 = arith.constant 0 : i32
      %sign3A_822 = arith.cmpi sgt, %add3A_818, %sign3A_821 : i32
      %sign3A_823 = arith.extui %sign3A_822 : i1 to i32
      %sign3A_824 = arith.constant 0 : i32
      %sign3A_825 = arith.cmpi slt, %add3A_818, %sign3A_824 : i32
      %sign3A_826 = arith.extui %sign3A_825 : i1 to i32
      %sign3A_827 = arith.subi %sign3A_823, %sign3A_826 : i32
      %sign3A_828 = arith.constant 0 : i32
      %sign3A_829 = arith.cmpi sgt, %jit3A_819, %sign3A_828 : i32
      %sign3A_830 = arith.extui %sign3A_829 : i1 to i32
      %sign3A_831 = arith.constant 0 : i32
      %sign3A_832 = arith.cmpi slt, %jit3A_819, %sign3A_831 : i32
      %sign3A_833 = arith.extui %sign3A_832 : i1 to i32
      %sign3A_834 = arith.subi %sign3A_830, %sign3A_833 : i32
      %ne3A_835 = arith.cmpi ne, %sign3A_827, %sign3A_834 : i32
      %rem3A_836 = arith.remsi %add3A_818, %jit3A_819 : i32
      %ne3A_837 = arith.constant 0 : i32
      %ne3A_838 = arith.cmpi ne, %rem3A_836, %ne3A_837 : i32
      %and3A_839 = arith.andi %ne3A_835, %ne3A_838 : i1
      %sub3A_840 = arith.constant 1 : i32
      %sub3A_841 = arith.subi %div3A_820, %sub3A_840 : i32
      %select_n3A_842 = arith.select %and3A_839, %sub3A_841, %div3A_820 : i32
      %jit3A_843 = arith.constant 2 : i32
      %eq3A_844 = arith.constant 0 : i32
      %eq3A_845 = arith.cmpi eq, %jit3A_843, %eq3A_844 : i32
      %jit3A_846 = arith.constant 1 : i32
      %select_n3A_847 = arith.select %eq3A_845, %jit3A_846, %jit3A_843 : i32
      %rem3A_848 = arith.remsi %add3A_818, %select_n3A_847 : i32
      %ne3A_849 = arith.constant 0 : i32
      %ne3A_850 = arith.cmpi ne, %rem3A_848, %ne3A_849 : i32
      %lt3A_851 = arith.constant 0 : i32
      %lt3A_852 = arith.cmpi slt, %rem3A_848, %lt3A_851 : i32
      %lt3A_853 = arith.constant 0 : i32
      %lt3A_854 = arith.cmpi slt, %select_n3A_847, %lt3A_853 : i32
      %ne3A_855 = arith.xori %lt3A_852, %lt3A_854 : i1
      %and3A_856 = arith.andi %ne3A_855, %ne3A_850 : i1
      %add3A_857 = arith.addi %rem3A_848, %select_n3A_847 : i32
      %select_n3A_858 = arith.select %and3A_856, %add3A_857, %rem3A_848 : i32
      %mul3A_859 = arith.constant 64 : i32
      %mul3A_860 = arith.muli %select_n3A_858, %mul3A_859 : i32
      %mul3A_861 = arith.constant 4096 : i32
      %mul3A_862 = arith.muli %select_n3A_842, %mul3A_861 : i32
      %add3A_863 = arith.addi %mul3A_862, %mul3A_2 : i32
      %add3A_864 = arith.addi %add3A_863, %mul3A_860 : i32
      %dma_wait3A_865 = arith.constant 0 : i32
      %dma_wait3A_866 = tpu.memref_slice %arg4[%add3A_864, %dma_wait3A_865] : memref<204800x128xf32, #tpu.memory_space<hbm>> -> memref<64x128xf32, #tpu.memory_space<hbm>>
      %dma_wait3A_867 = arith.constant 0 : i32
      %dma_wait3A_868 = tpu.memref_slice %arg4[%add3A_864, %dma_wait3A_867] : memref<204800x128xf32, #tpu.memory_space<hbm>> -> memref<64x128xf32, #tpu.memory_space<hbm>>
      tpu.wait_dma2 semaphore(%arg30 : memref<!tpu.dma_semaphore, #tpu.memory_space<semaphore_mem>>) src(%arg10 : memref<64x128xf32, #tpu.memory_space<vmem>>) dst(%dma_wait3A_868 : memref<64x128xf32, #tpu.memory_space<hbm>>)
      %add3A_869 = arith.constant 4 : i32
      %add3A_870 = arith.addi %add3A_80, %add3A_869 : i32
      %add3A_871 = arith.constant 10 : i32
      %add3A_872 = arith.addi %add3A_870, %add3A_871 : i32
      %lt3A_873 = arith.constant 100 : i32
      %lt3A_874 = arith.cmpi slt, %add3A_872, %lt3A_873 : i32
      %convert_element_type3A_875 = arith.extui %lt3A_874 : i1 to i32
      %cond3A_876 = arith.constant 0 : i32
      %cond3A_877 = arith.cmpi ne, %convert_element_type3A_875, %cond3A_876 : i32
      scf.if %cond3A_877 {
        %add3A_1688 = arith.constant 4 : i32
        %add3A_1689 = arith.addi %add3A_80, %add3A_1688 : i32
        %add3A_1690 = arith.constant 10 : i32
        %add3A_1691 = arith.addi %add3A_1689, %add3A_1690 : i32
        %jit3A_1692 = arith.constant 2 : i32
        %div3A_1693 = arith.divsi %add3A_1691, %jit3A_1692 : i32
        %sign3A_1694 = arith.constant 0 : i32
        %sign3A_1695 = arith.cmpi sgt, %add3A_1691, %sign3A_1694 : i32
        %sign3A_1696 = arith.extui %sign3A_1695 : i1 to i32
        %sign3A_1697 = arith.constant 0 : i32
        %sign3A_1698 = arith.cmpi slt, %add3A_1691, %sign3A_1697 : i32
        %sign3A_1699 = arith.extui %sign3A_1698 : i1 to i32
        %sign3A_1700 = arith.subi %sign3A_1696, %sign3A_1699 : i32
        %sign3A_1701 = arith.constant 0 : i32
        %sign3A_1702 = arith.cmpi sgt, %jit3A_1692, %sign3A_1701 : i32
        %sign3A_1703 = arith.extui %sign3A_1702 : i1 to i32
        %sign3A_1704 = arith.constant 0 : i32
        %sign3A_1705 = arith.cmpi slt, %jit3A_1692, %sign3A_1704 : i32
        %sign3A_1706 = arith.extui %sign3A_1705 : i1 to i32
        %sign3A_1707 = arith.subi %sign3A_1703, %sign3A_1706 : i32
        %ne3A_1708 = arith.cmpi ne, %sign3A_1700, %sign3A_1707 : i32
        %rem3A_1709 = arith.remsi %add3A_1691, %jit3A_1692 : i32
        %ne3A_1710 = arith.constant 0 : i32
        %ne3A_1711 = arith.cmpi ne, %rem3A_1709, %ne3A_1710 : i32
        %and3A_1712 = arith.andi %ne3A_1708, %ne3A_1711 : i1
        %sub3A_1713 = arith.constant 1 : i32
        %sub3A_1714 = arith.subi %div3A_1693, %sub3A_1713 : i32
        %select_n3A_1715 = arith.select %and3A_1712, %sub3A_1714, %div3A_1693 : i32
        %jit3A_1716 = arith.constant 2 : i32
        %eq3A_1717 = arith.constant 0 : i32
        %eq3A_1718 = arith.cmpi eq, %jit3A_1716, %eq3A_1717 : i32
        %jit3A_1719 = arith.constant 1 : i32
        %select_n3A_1720 = arith.select %eq3A_1718, %jit3A_1719, %jit3A_1716 : i32
        %rem3A_1721 = arith.remsi %add3A_1691, %select_n3A_1720 : i32
        %ne3A_1722 = arith.constant 0 : i32
        %ne3A_1723 = arith.cmpi ne, %rem3A_1721, %ne3A_1722 : i32
        %lt3A_1724 = arith.constant 0 : i32
        %lt3A_1725 = arith.cmpi slt, %rem3A_1721, %lt3A_1724 : i32
        %lt3A_1726 = arith.constant 0 : i32
        %lt3A_1727 = arith.cmpi slt, %select_n3A_1720, %lt3A_1726 : i32
        %ne3A_1728 = arith.xori %lt3A_1725, %lt3A_1727 : i1
        %and3A_1729 = arith.andi %ne3A_1728, %ne3A_1723 : i1
        %add3A_1730 = arith.addi %rem3A_1721, %select_n3A_1720 : i32
        %select_n3A_1731 = arith.select %and3A_1729, %add3A_1730, %rem3A_1721 : i32
        %mul3A_1732 = arith.constant 64 : i32
        %mul3A_1733 = arith.muli %select_n3A_1731, %mul3A_1732 : i32
        %dma_start3A_1734 = tpu.memref_slice %arg5[%select_n3A_1715, %mul3A_1733] : memref<50x128xi32, #tpu.memory_space<vmem>> -> memref<1x64xi32, #tpu.memory_space<vmem>>
        %dma_start3A_1735 = tpu.memref_squeeze %dma_start3A_1734 : memref<1x64xi32, #tpu.memory_space<vmem>> -> memref<64xi32, #tpu.memory_space<vmem>>
        %dma_start3A_1736 = arith.constant 0 : i32
        %dma_start3A_1737 = arith.constant 0 : i32
        %dma_start3A_1738 = tpu.memref_slice %arg2[%dma_start3A_1736, %dma_start3A_1737] : memref<100000x128xf32, #tpu.memory_space<hbm>> -> memref<100000x128xf32, #tpu.memory_space<hbm>>
        tpu.enqueue_indirect_dma source(%dma_start3A_1738 : memref<100000x128xf32, #tpu.memory_space<hbm>>) target(%arg10 : memref<64x128xf32, #tpu.memory_space<vmem>>) offsets(%dma_start3A_1735 : memref<64xi32, #tpu.memory_space<vmem>>) semaphore(%arg20 : memref<!tpu.dma_semaphore, #tpu.memory_space<semaphore_mem>>)
      } else {
      }
      %add3A_878 = arith.constant 5 : i32
      %add3A_879 = arith.addi %add3A_80, %add3A_878 : i32
      %jit3A_880 = arith.constant 2 : i32
      %div3A_881 = arith.divsi %add3A_879, %jit3A_880 : i32
      %sign3A_882 = arith.constant 0 : i32
      %sign3A_883 = arith.cmpi sgt, %add3A_879, %sign3A_882 : i32
      %sign3A_884 = arith.extui %sign3A_883 : i1 to i32
      %sign3A_885 = arith.constant 0 : i32
      %sign3A_886 = arith.cmpi slt, %add3A_879, %sign3A_885 : i32
      %sign3A_887 = arith.extui %sign3A_886 : i1 to i32
      %sign3A_888 = arith.subi %sign3A_884, %sign3A_887 : i32
      %sign3A_889 = arith.constant 0 : i32
      %sign3A_890 = arith.cmpi sgt, %jit3A_880, %sign3A_889 : i32
      %sign3A_891 = arith.extui %sign3A_890 : i1 to i32
      %sign3A_892 = arith.constant 0 : i32
      %sign3A_893 = arith.cmpi slt, %jit3A_880, %sign3A_892 : i32
      %sign3A_894 = arith.extui %sign3A_893 : i1 to i32
      %sign3A_895 = arith.subi %sign3A_891, %sign3A_894 : i32
      %ne3A_896 = arith.cmpi ne, %sign3A_888, %sign3A_895 : i32
      %rem3A_897 = arith.remsi %add3A_879, %jit3A_880 : i32
      %ne3A_898 = arith.constant 0 : i32
      %ne3A_899 = arith.cmpi ne, %rem3A_897, %ne3A_898 : i32
      %and3A_900 = arith.andi %ne3A_896, %ne3A_899 : i1
      %sub3A_901 = arith.constant 1 : i32
      %sub3A_902 = arith.subi %div3A_881, %sub3A_901 : i32
      %select_n3A_903 = arith.select %and3A_900, %sub3A_902, %div3A_881 : i32
      %jit3A_904 = arith.constant 2 : i32
      %eq3A_905 = arith.constant 0 : i32
      %eq3A_906 = arith.cmpi eq, %jit3A_904, %eq3A_905 : i32
      %jit3A_907 = arith.constant 1 : i32
      %select_n3A_908 = arith.select %eq3A_906, %jit3A_907, %jit3A_904 : i32
      %rem3A_909 = arith.remsi %add3A_879, %select_n3A_908 : i32
      %ne3A_910 = arith.constant 0 : i32
      %ne3A_911 = arith.cmpi ne, %rem3A_909, %ne3A_910 : i32
      %lt3A_912 = arith.constant 0 : i32
      %lt3A_913 = arith.cmpi slt, %rem3A_909, %lt3A_912 : i32
      %lt3A_914 = arith.constant 0 : i32
      %lt3A_915 = arith.cmpi slt, %select_n3A_908, %lt3A_914 : i32
      %ne3A_916 = arith.xori %lt3A_913, %lt3A_915 : i1
      %and3A_917 = arith.andi %ne3A_916, %ne3A_911 : i1
      %add3A_918 = arith.addi %rem3A_909, %select_n3A_908 : i32
      %select_n3A_919 = arith.select %and3A_917, %add3A_918, %rem3A_909 : i32
      %mul3A_920 = arith.constant 64 : i32
      %mul3A_921 = arith.muli %select_n3A_919, %mul3A_920 : i32
      %dma_wait3A_922 = tpu.memref_slice %arg5[%select_n3A_903, %mul3A_921] : memref<50x128xi32, #tpu.memory_space<vmem>> -> memref<1x64xi32, #tpu.memory_space<vmem>>
      %dma_wait3A_923 = tpu.memref_squeeze %dma_wait3A_922 : memref<1x64xi32, #tpu.memory_space<vmem>> -> memref<64xi32, #tpu.memory_space<vmem>>
      %dma_wait3A_924 = arith.constant 0 : i32
      %dma_wait3A_925 = arith.constant 0 : i32
      %dma_wait3A_926 = tpu.memref_slice %arg2[%dma_wait3A_924, %dma_wait3A_925] : memref<100000x128xf32, #tpu.memory_space<hbm>> -> memref<100000x128xf32, #tpu.memory_space<hbm>>
      tpu.wait_indirect_dma semaphore(%arg21 : memref<!tpu.dma_semaphore, #tpu.memory_space<semaphore_mem>>) src(%dma_wait3A_926 : memref<100000x128xf32, #tpu.memory_space<hbm>>) dst(%arg11 : memref<64x128xf32, #tpu.memory_space<vmem>>)
      %add3A_927 = arith.constant 5 : i32
      %add3A_928 = arith.addi %add3A_80, %add3A_927 : i32
      %jit3A_929 = arith.constant 2 : i32
      %div3A_930 = arith.divsi %add3A_928, %jit3A_929 : i32
      %sign3A_931 = arith.constant 0 : i32
      %sign3A_932 = arith.cmpi sgt, %add3A_928, %sign3A_931 : i32
      %sign3A_933 = arith.extui %sign3A_932 : i1 to i32
      %sign3A_934 = arith.constant 0 : i32
      %sign3A_935 = arith.cmpi slt, %add3A_928, %sign3A_934 : i32
      %sign3A_936 = arith.extui %sign3A_935 : i1 to i32
      %sign3A_937 = arith.subi %sign3A_933, %sign3A_936 : i32
      %sign3A_938 = arith.constant 0 : i32
      %sign3A_939 = arith.cmpi sgt, %jit3A_929, %sign3A_938 : i32
      %sign3A_940 = arith.extui %sign3A_939 : i1 to i32
      %sign3A_941 = arith.constant 0 : i32
      %sign3A_942 = arith.cmpi slt, %jit3A_929, %sign3A_941 : i32
      %sign3A_943 = arith.extui %sign3A_942 : i1 to i32
      %sign3A_944 = arith.subi %sign3A_940, %sign3A_943 : i32
      %ne3A_945 = arith.cmpi ne, %sign3A_937, %sign3A_944 : i32
      %rem3A_946 = arith.remsi %add3A_928, %jit3A_929 : i32
      %ne3A_947 = arith.constant 0 : i32
      %ne3A_948 = arith.cmpi ne, %rem3A_946, %ne3A_947 : i32
      %and3A_949 = arith.andi %ne3A_945, %ne3A_948 : i1
      %sub3A_950 = arith.constant 1 : i32
      %sub3A_951 = arith.subi %div3A_930, %sub3A_950 : i32
      %select_n3A_952 = arith.select %and3A_949, %sub3A_951, %div3A_930 : i32
      %jit3A_953 = arith.constant 2 : i32
      %eq3A_954 = arith.constant 0 : i32
      %eq3A_955 = arith.cmpi eq, %jit3A_953, %eq3A_954 : i32
      %jit3A_956 = arith.constant 1 : i32
      %select_n3A_957 = arith.select %eq3A_955, %jit3A_956, %jit3A_953 : i32
      %rem3A_958 = arith.remsi %add3A_928, %select_n3A_957 : i32
      %ne3A_959 = arith.constant 0 : i32
      %ne3A_960 = arith.cmpi ne, %rem3A_958, %ne3A_959 : i32
      %lt3A_961 = arith.constant 0 : i32
      %lt3A_962 = arith.cmpi slt, %rem3A_958, %lt3A_961 : i32
      %lt3A_963 = arith.constant 0 : i32
      %lt3A_964 = arith.cmpi slt, %select_n3A_957, %lt3A_963 : i32
      %ne3A_965 = arith.xori %lt3A_962, %lt3A_964 : i1
      %and3A_966 = arith.andi %ne3A_965, %ne3A_960 : i1
      %add3A_967 = arith.addi %rem3A_958, %select_n3A_957 : i32
      %select_n3A_968 = arith.select %and3A_966, %add3A_967, %rem3A_958 : i32
      %mul3A_969 = arith.constant 64 : i32
      %mul3A_970 = arith.muli %select_n3A_968, %mul3A_969 : i32
      %mul3A_971 = arith.constant 4096 : i32
      %mul3A_972 = arith.muli %select_n3A_952, %mul3A_971 : i32
      %add3A_973 = arith.addi %mul3A_972, %mul3A_2 : i32
      %add3A_974 = arith.addi %add3A_973, %mul3A_970 : i32
      %dma_start3A_975 = arith.constant 0 : i32
      %dma_start3A_976 = tpu.memref_slice %arg4[%add3A_974, %dma_start3A_975] : memref<204800x128xf32, #tpu.memory_space<hbm>> -> memref<64x128xf32, #tpu.memory_space<hbm>>
      %dma_start3A_977 = arith.constant 0 : i32
      %dma_start3A_978 = tpu.memref_slice %arg4[%add3A_974, %dma_start3A_977] : memref<204800x128xf32, #tpu.memory_space<hbm>> -> memref<64x128xf32, #tpu.memory_space<hbm>>
      tpu.enqueue_dma source(%arg11 : memref<64x128xf32, #tpu.memory_space<vmem>>) target(%dma_start3A_978 : memref<64x128xf32, #tpu.memory_space<hbm>>) target_semaphore(%arg31 : memref<!tpu.dma_semaphore, #tpu.memory_space<semaphore_mem>>)
      %add3A_979 = arith.constant 5 : i32
      %add3A_980 = arith.addi %add3A_80, %add3A_979 : i32
      %jit3A_981 = arith.constant 2 : i32
      %div3A_982 = arith.divsi %add3A_980, %jit3A_981 : i32
      %sign3A_983 = arith.constant 0 : i32
      %sign3A_984 = arith.cmpi sgt, %add3A_980, %sign3A_983 : i32
      %sign3A_985 = arith.extui %sign3A_984 : i1 to i32
      %sign3A_986 = arith.constant 0 : i32
      %sign3A_987 = arith.cmpi slt, %add3A_980, %sign3A_986 : i32
      %sign3A_988 = arith.extui %sign3A_987 : i1 to i32
      %sign3A_989 = arith.subi %sign3A_985, %sign3A_988 : i32
      %sign3A_990 = arith.constant 0 : i32
      %sign3A_991 = arith.cmpi sgt, %jit3A_981, %sign3A_990 : i32
      %sign3A_992 = arith.extui %sign3A_991 : i1 to i32
      %sign3A_993 = arith.constant 0 : i32
      %sign3A_994 = arith.cmpi slt, %jit3A_981, %sign3A_993 : i32
      %sign3A_995 = arith.extui %sign3A_994 : i1 to i32
      %sign3A_996 = arith.subi %sign3A_992, %sign3A_995 : i32
      %ne3A_997 = arith.cmpi ne, %sign3A_989, %sign3A_996 : i32
      %rem3A_998 = arith.remsi %add3A_980, %jit3A_981 : i32
      %ne3A_999 = arith.constant 0 : i32
      %ne3A_1000 = arith.cmpi ne, %rem3A_998, %ne3A_999 : i32
      %and3A_1001 = arith.andi %ne3A_997, %ne3A_1000 : i1
      %sub3A_1002 = arith.constant 1 : i32
      %sub3A_1003 = arith.subi %div3A_982, %sub3A_1002 : i32
      %select_n3A_1004 = arith.select %and3A_1001, %sub3A_1003, %div3A_982 : i32
      %jit3A_1005 = arith.constant 2 : i32
      %eq3A_1006 = arith.constant 0 : i32
      %eq3A_1007 = arith.cmpi eq, %jit3A_1005, %eq3A_1006 : i32
      %jit3A_1008 = arith.constant 1 : i32
      %select_n3A_1009 = arith.select %eq3A_1007, %jit3A_1008, %jit3A_1005 : i32
      %rem3A_1010 = arith.remsi %add3A_980, %select_n3A_1009 : i32
      %ne3A_1011 = arith.constant 0 : i32
      %ne3A_1012 = arith.cmpi ne, %rem3A_1010, %ne3A_1011 : i32
      %lt3A_1013 = arith.constant 0 : i32
      %lt3A_1014 = arith.cmpi slt, %rem3A_1010, %lt3A_1013 : i32
      %lt3A_1015 = arith.constant 0 : i32
      %lt3A_1016 = arith.cmpi slt, %select_n3A_1009, %lt3A_1015 : i32
      %ne3A_1017 = arith.xori %lt3A_1014, %lt3A_1016 : i1
      %and3A_1018 = arith.andi %ne3A_1017, %ne3A_1012 : i1
      %add3A_1019 = arith.addi %rem3A_1010, %select_n3A_1009 : i32
      %select_n3A_1020 = arith.select %and3A_1018, %add3A_1019, %rem3A_1010 : i32
      %mul3A_1021 = arith.constant 64 : i32
      %mul3A_1022 = arith.muli %select_n3A_1020, %mul3A_1021 : i32
      %mul3A_1023 = arith.constant 4096 : i32
      %mul3A_1024 = arith.muli %select_n3A_1004, %mul3A_1023 : i32
      %add3A_1025 = arith.addi %mul3A_1024, %mul3A_2 : i32
      %add3A_1026 = arith.addi %add3A_1025, %mul3A_1022 : i32
      %dma_wait3A_1027 = arith.constant 0 : i32
      %dma_wait3A_1028 = tpu.memref_slice %arg4[%add3A_1026, %dma_wait3A_1027] : memref<204800x128xf32, #tpu.memory_space<hbm>> -> memref<64x128xf32, #tpu.memory_space<hbm>>
      %dma_wait3A_1029 = arith.constant 0 : i32
      %dma_wait3A_1030 = tpu.memref_slice %arg4[%add3A_1026, %dma_wait3A_1029] : memref<204800x128xf32, #tpu.memory_space<hbm>> -> memref<64x128xf32, #tpu.memory_space<hbm>>
      tpu.wait_dma2 semaphore(%arg31 : memref<!tpu.dma_semaphore, #tpu.memory_space<semaphore_mem>>) src(%arg11 : memref<64x128xf32, #tpu.memory_space<vmem>>) dst(%dma_wait3A_1030 : memref<64x128xf32, #tpu.memory_space<hbm>>)
      %add3A_1031 = arith.constant 5 : i32
      %add3A_1032 = arith.addi %add3A_80, %add3A_1031 : i32
      %add3A_1033 = arith.constant 10 : i32
      %add3A_1034 = arith.addi %add3A_1032, %add3A_1033 : i32
      %lt3A_1035 = arith.constant 100 : i32
      %lt3A_1036 = arith.cmpi slt, %add3A_1034, %lt3A_1035 : i32
      %convert_element_type3A_1037 = arith.extui %lt3A_1036 : i1 to i32
      %cond3A_1038 = arith.constant 0 : i32
      %cond3A_1039 = arith.cmpi ne, %convert_element_type3A_1037, %cond3A_1038 : i32
      scf.if %cond3A_1039 {
        %add3A_1688 = arith.constant 5 : i32
        %add3A_1689 = arith.addi %add3A_80, %add3A_1688 : i32
        %add3A_1690 = arith.constant 10 : i32
        %add3A_1691 = arith.addi %add3A_1689, %add3A_1690 : i32
        %jit3A_1692 = arith.constant 2 : i32
        %div3A_1693 = arith.divsi %add3A_1691, %jit3A_1692 : i32
        %sign3A_1694 = arith.constant 0 : i32
        %sign3A_1695 = arith.cmpi sgt, %add3A_1691, %sign3A_1694 : i32
        %sign3A_1696 = arith.extui %sign3A_1695 : i1 to i32
        %sign3A_1697 = arith.constant 0 : i32
        %sign3A_1698 = arith.cmpi slt, %add3A_1691, %sign3A_1697 : i32
        %sign3A_1699 = arith.extui %sign3A_1698 : i1 to i32
        %sign3A_1700 = arith.subi %sign3A_1696, %sign3A_1699 : i32
        %sign3A_1701 = arith.constant 0 : i32
        %sign3A_1702 = arith.cmpi sgt, %jit3A_1692, %sign3A_1701 : i32
        %sign3A_1703 = arith.extui %sign3A_1702 : i1 to i32
        %sign3A_1704 = arith.constant 0 : i32
        %sign3A_1705 = arith.cmpi slt, %jit3A_1692, %sign3A_1704 : i32
        %sign3A_1706 = arith.extui %sign3A_1705 : i1 to i32
        %sign3A_1707 = arith.subi %sign3A_1703, %sign3A_1706 : i32
        %ne3A_1708 = arith.cmpi ne, %sign3A_1700, %sign3A_1707 : i32
        %rem3A_1709 = arith.remsi %add3A_1691, %jit3A_1692 : i32
        %ne3A_1710 = arith.constant 0 : i32
        %ne3A_1711 = arith.cmpi ne, %rem3A_1709, %ne3A_1710 : i32
        %and3A_1712 = arith.andi %ne3A_1708, %ne3A_1711 : i1
        %sub3A_1713 = arith.constant 1 : i32
        %sub3A_1714 = arith.subi %div3A_1693, %sub3A_1713 : i32
        %select_n3A_1715 = arith.select %and3A_1712, %sub3A_1714, %div3A_1693 : i32
        %jit3A_1716 = arith.constant 2 : i32
        %eq3A_1717 = arith.constant 0 : i32
        %eq3A_1718 = arith.cmpi eq, %jit3A_1716, %eq3A_1717 : i32
        %jit3A_1719 = arith.constant 1 : i32
        %select_n3A_1720 = arith.select %eq3A_1718, %jit3A_1719, %jit3A_1716 : i32
        %rem3A_1721 = arith.remsi %add3A_1691, %select_n3A_1720 : i32
        %ne3A_1722 = arith.constant 0 : i32
        %ne3A_1723 = arith.cmpi ne, %rem3A_1721, %ne3A_1722 : i32
        %lt3A_1724 = arith.constant 0 : i32
        %lt3A_1725 = arith.cmpi slt, %rem3A_1721, %lt3A_1724 : i32
        %lt3A_1726 = arith.constant 0 : i32
        %lt3A_1727 = arith.cmpi slt, %select_n3A_1720, %lt3A_1726 : i32
        %ne3A_1728 = arith.xori %lt3A_1725, %lt3A_1727 : i1
        %and3A_1729 = arith.andi %ne3A_1728, %ne3A_1723 : i1
        %add3A_1730 = arith.addi %rem3A_1721, %select_n3A_1720 : i32
        %select_n3A_1731 = arith.select %and3A_1729, %add3A_1730, %rem3A_1721 : i32
        %mul3A_1732 = arith.constant 64 : i32
        %mul3A_1733 = arith.muli %select_n3A_1731, %mul3A_1732 : i32
        %dma_start3A_1734 = tpu.memref_slice %arg5[%select_n3A_1715, %mul3A_1733] : memref<50x128xi32, #tpu.memory_space<vmem>> -> memref<1x64xi32, #tpu.memory_space<vmem>>
        %dma_start3A_1735 = tpu.memref_squeeze %dma_start3A_1734 : memref<1x64xi32, #tpu.memory_space<vmem>> -> memref<64xi32, #tpu.memory_space<vmem>>
        %dma_start3A_1736 = arith.constant 0 : i32
        %dma_start3A_1737 = arith.constant 0 : i32
        %dma_start3A_1738 = tpu.memref_slice %arg2[%dma_start3A_1736, %dma_start3A_1737] : memref<100000x128xf32, #tpu.memory_space<hbm>> -> memref<100000x128xf32, #tpu.memory_space<hbm>>
        tpu.enqueue_indirect_dma source(%dma_start3A_1738 : memref<100000x128xf32, #tpu.memory_space<hbm>>) target(%arg11 : memref<64x128xf32, #tpu.memory_space<vmem>>) offsets(%dma_start3A_1735 : memref<64xi32, #tpu.memory_space<vmem>>) semaphore(%arg21 : memref<!tpu.dma_semaphore, #tpu.memory_space<semaphore_mem>>)
      } else {
      }
      %add3A_1040 = arith.constant 6 : i32
      %add3A_1041 = arith.addi %add3A_80, %add3A_1040 : i32
      %jit3A_1042 = arith.constant 2 : i32
      %div3A_1043 = arith.divsi %add3A_1041, %jit3A_1042 : i32
      %sign3A_1044 = arith.constant 0 : i32
      %sign3A_1045 = arith.cmpi sgt, %add3A_1041, %sign3A_1044 : i32
      %sign3A_1046 = arith.extui %sign3A_1045 : i1 to i32
      %sign3A_1047 = arith.constant 0 : i32
      %sign3A_1048 = arith.cmpi slt, %add3A_1041, %sign3A_1047 : i32
      %sign3A_1049 = arith.extui %sign3A_1048 : i1 to i32
      %sign3A_1050 = arith.subi %sign3A_1046, %sign3A_1049 : i32
      %sign3A_1051 = arith.constant 0 : i32
      %sign3A_1052 = arith.cmpi sgt, %jit3A_1042, %sign3A_1051 : i32
      %sign3A_1053 = arith.extui %sign3A_1052 : i1 to i32
      %sign3A_1054 = arith.constant 0 : i32
      %sign3A_1055 = arith.cmpi slt, %jit3A_1042, %sign3A_1054 : i32
      %sign3A_1056 = arith.extui %sign3A_1055 : i1 to i32
      %sign3A_1057 = arith.subi %sign3A_1053, %sign3A_1056 : i32
      %ne3A_1058 = arith.cmpi ne, %sign3A_1050, %sign3A_1057 : i32
      %rem3A_1059 = arith.remsi %add3A_1041, %jit3A_1042 : i32
      %ne3A_1060 = arith.constant 0 : i32
      %ne3A_1061 = arith.cmpi ne, %rem3A_1059, %ne3A_1060 : i32
      %and3A_1062 = arith.andi %ne3A_1058, %ne3A_1061 : i1
      %sub3A_1063 = arith.constant 1 : i32
      %sub3A_1064 = arith.subi %div3A_1043, %sub3A_1063 : i32
      %select_n3A_1065 = arith.select %and3A_1062, %sub3A_1064, %div3A_1043 : i32
      %jit3A_1066 = arith.constant 2 : i32
      %eq3A_1067 = arith.constant 0 : i32
      %eq3A_1068 = arith.cmpi eq, %jit3A_1066, %eq3A_1067 : i32
      %jit3A_1069 = arith.constant 1 : i32
      %select_n3A_1070 = arith.select %eq3A_1068, %jit3A_1069, %jit3A_1066 : i32
      %rem3A_1071 = arith.remsi %add3A_1041, %select_n3A_1070 : i32
      %ne3A_1072 = arith.constant 0 : i32
      %ne3A_1073 = arith.cmpi ne, %rem3A_1071, %ne3A_1072 : i32
      %lt3A_1074 = arith.constant 0 : i32
      %lt3A_1075 = arith.cmpi slt, %rem3A_1071, %lt3A_1074 : i32
      %lt3A_1076 = arith.constant 0 : i32
      %lt3A_1077 = arith.cmpi slt, %select_n3A_1070, %lt3A_1076 : i32
      %ne3A_1078 = arith.xori %lt3A_1075, %lt3A_1077 : i1
      %and3A_1079 = arith.andi %ne3A_1078, %ne3A_1073 : i1
      %add3A_1080 = arith.addi %rem3A_1071, %select_n3A_1070 : i32
      %select_n3A_1081 = arith.select %and3A_1079, %add3A_1080, %rem3A_1071 : i32
      %mul3A_1082 = arith.constant 64 : i32
      %mul3A_1083 = arith.muli %select_n3A_1081, %mul3A_1082 : i32
      %dma_wait3A_1084 = tpu.memref_slice %arg5[%select_n3A_1065, %mul3A_1083] : memref<50x128xi32, #tpu.memory_space<vmem>> -> memref<1x64xi32, #tpu.memory_space<vmem>>
      %dma_wait3A_1085 = tpu.memref_squeeze %dma_wait3A_1084 : memref<1x64xi32, #tpu.memory_space<vmem>> -> memref<64xi32, #tpu.memory_space<vmem>>
      %dma_wait3A_1086 = arith.constant 0 : i32
      %dma_wait3A_1087 = arith.constant 0 : i32
      %dma_wait3A_1088 = tpu.memref_slice %arg2[%dma_wait3A_1086, %dma_wait3A_1087] : memref<100000x128xf32, #tpu.memory_space<hbm>> -> memref<100000x128xf32, #tpu.memory_space<hbm>>
      tpu.wait_indirect_dma semaphore(%arg22 : memref<!tpu.dma_semaphore, #tpu.memory_space<semaphore_mem>>) src(%dma_wait3A_1088 : memref<100000x128xf32, #tpu.memory_space<hbm>>) dst(%arg12 : memref<64x128xf32, #tpu.memory_space<vmem>>)
      %add3A_1089 = arith.constant 6 : i32
      %add3A_1090 = arith.addi %add3A_80, %add3A_1089 : i32
      %jit3A_1091 = arith.constant 2 : i32
      %div3A_1092 = arith.divsi %add3A_1090, %jit3A_1091 : i32
      %sign3A_1093 = arith.constant 0 : i32
      %sign3A_1094 = arith.cmpi sgt, %add3A_1090, %sign3A_1093 : i32
      %sign3A_1095 = arith.extui %sign3A_1094 : i1 to i32
      %sign3A_1096 = arith.constant 0 : i32
      %sign3A_1097 = arith.cmpi slt, %add3A_1090, %sign3A_1096 : i32
      %sign3A_1098 = arith.extui %sign3A_1097 : i1 to i32
      %sign3A_1099 = arith.subi %sign3A_1095, %sign3A_1098 : i32
      %sign3A_1100 = arith.constant 0 : i32
      %sign3A_1101 = arith.cmpi sgt, %jit3A_1091, %sign3A_1100 : i32
      %sign3A_1102 = arith.extui %sign3A_1101 : i1 to i32
      %sign3A_1103 = arith.constant 0 : i32
      %sign3A_1104 = arith.cmpi slt, %jit3A_1091, %sign3A_1103 : i32
      %sign3A_1105 = arith.extui %sign3A_1104 : i1 to i32
      %sign3A_1106 = arith.subi %sign3A_1102, %sign3A_1105 : i32
      %ne3A_1107 = arith.cmpi ne, %sign3A_1099, %sign3A_1106 : i32
      %rem3A_1108 = arith.remsi %add3A_1090, %jit3A_1091 : i32
      %ne3A_1109 = arith.constant 0 : i32
      %ne3A_1110 = arith.cmpi ne, %rem3A_1108, %ne3A_1109 : i32
      %and3A_1111 = arith.andi %ne3A_1107, %ne3A_1110 : i1
      %sub3A_1112 = arith.constant 1 : i32
      %sub3A_1113 = arith.subi %div3A_1092, %sub3A_1112 : i32
      %select_n3A_1114 = arith.select %and3A_1111, %sub3A_1113, %div3A_1092 : i32
      %jit3A_1115 = arith.constant 2 : i32
      %eq3A_1116 = arith.constant 0 : i32
      %eq3A_1117 = arith.cmpi eq, %jit3A_1115, %eq3A_1116 : i32
      %jit3A_1118 = arith.constant 1 : i32
      %select_n3A_1119 = arith.select %eq3A_1117, %jit3A_1118, %jit3A_1115 : i32
      %rem3A_1120 = arith.remsi %add3A_1090, %select_n3A_1119 : i32
      %ne3A_1121 = arith.constant 0 : i32
      %ne3A_1122 = arith.cmpi ne, %rem3A_1120, %ne3A_1121 : i32
      %lt3A_1123 = arith.constant 0 : i32
      %lt3A_1124 = arith.cmpi slt, %rem3A_1120, %lt3A_1123 : i32
      %lt3A_1125 = arith.constant 0 : i32
      %lt3A_1126 = arith.cmpi slt, %select_n3A_1119, %lt3A_1125 : i32
      %ne3A_1127 = arith.xori %lt3A_1124, %lt3A_1126 : i1
      %and3A_1128 = arith.andi %ne3A_1127, %ne3A_1122 : i1
      %add3A_1129 = arith.addi %rem3A_1120, %select_n3A_1119 : i32
      %select_n3A_1130 = arith.select %and3A_1128, %add3A_1129, %rem3A_1120 : i32
      %mul3A_1131 = arith.constant 64 : i32
      %mul3A_1132 = arith.muli %select_n3A_1130, %mul3A_1131 : i32
      %mul3A_1133 = arith.constant 4096 : i32
      %mul3A_1134 = arith.muli %select_n3A_1114, %mul3A_1133 : i32
      %add3A_1135 = arith.addi %mul3A_1134, %mul3A_2 : i32
      %add3A_1136 = arith.addi %add3A_1135, %mul3A_1132 : i32
      %dma_start3A_1137 = arith.constant 0 : i32
      %dma_start3A_1138 = tpu.memref_slice %arg4[%add3A_1136, %dma_start3A_1137] : memref<204800x128xf32, #tpu.memory_space<hbm>> -> memref<64x128xf32, #tpu.memory_space<hbm>>
      %dma_start3A_1139 = arith.constant 0 : i32
      %dma_start3A_1140 = tpu.memref_slice %arg4[%add3A_1136, %dma_start3A_1139] : memref<204800x128xf32, #tpu.memory_space<hbm>> -> memref<64x128xf32, #tpu.memory_space<hbm>>
      tpu.enqueue_dma source(%arg12 : memref<64x128xf32, #tpu.memory_space<vmem>>) target(%dma_start3A_1140 : memref<64x128xf32, #tpu.memory_space<hbm>>) target_semaphore(%arg32 : memref<!tpu.dma_semaphore, #tpu.memory_space<semaphore_mem>>)
      %add3A_1141 = arith.constant 6 : i32
      %add3A_1142 = arith.addi %add3A_80, %add3A_1141 : i32
      %jit3A_1143 = arith.constant 2 : i32
      %div3A_1144 = arith.divsi %add3A_1142, %jit3A_1143 : i32
      %sign3A_1145 = arith.constant 0 : i32
      %sign3A_1146 = arith.cmpi sgt, %add3A_1142, %sign3A_1145 : i32
      %sign3A_1147 = arith.extui %sign3A_1146 : i1 to i32
      %sign3A_1148 = arith.constant 0 : i32
      %sign3A_1149 = arith.cmpi slt, %add3A_1142, %sign3A_1148 : i32
      %sign3A_1150 = arith.extui %sign3A_1149 : i1 to i32
      %sign3A_1151 = arith.subi %sign3A_1147, %sign3A_1150 : i32
      %sign3A_1152 = arith.constant 0 : i32
      %sign3A_1153 = arith.cmpi sgt, %jit3A_1143, %sign3A_1152 : i32
      %sign3A_1154 = arith.extui %sign3A_1153 : i1 to i32
      %sign3A_1155 = arith.constant 0 : i32
      %sign3A_1156 = arith.cmpi slt, %jit3A_1143, %sign3A_1155 : i32
      %sign3A_1157 = arith.extui %sign3A_1156 : i1 to i32
      %sign3A_1158 = arith.subi %sign3A_1154, %sign3A_1157 : i32
      %ne3A_1159 = arith.cmpi ne, %sign3A_1151, %sign3A_1158 : i32
      %rem3A_1160 = arith.remsi %add3A_1142, %jit3A_1143 : i32
      %ne3A_1161 = arith.constant 0 : i32
      %ne3A_1162 = arith.cmpi ne, %rem3A_1160, %ne3A_1161 : i32
      %and3A_1163 = arith.andi %ne3A_1159, %ne3A_1162 : i1
      %sub3A_1164 = arith.constant 1 : i32
      %sub3A_1165 = arith.subi %div3A_1144, %sub3A_1164 : i32
      %select_n3A_1166 = arith.select %and3A_1163, %sub3A_1165, %div3A_1144 : i32
      %jit3A_1167 = arith.constant 2 : i32
      %eq3A_1168 = arith.constant 0 : i32
      %eq3A_1169 = arith.cmpi eq, %jit3A_1167, %eq3A_1168 : i32
      %jit3A_1170 = arith.constant 1 : i32
      %select_n3A_1171 = arith.select %eq3A_1169, %jit3A_1170, %jit3A_1167 : i32
      %rem3A_1172 = arith.remsi %add3A_1142, %select_n3A_1171 : i32
      %ne3A_1173 = arith.constant 0 : i32
      %ne3A_1174 = arith.cmpi ne, %rem3A_1172, %ne3A_1173 : i32
      %lt3A_1175 = arith.constant 0 : i32
      %lt3A_1176 = arith.cmpi slt, %rem3A_1172, %lt3A_1175 : i32
      %lt3A_1177 = arith.constant 0 : i32
      %lt3A_1178 = arith.cmpi slt, %select_n3A_1171, %lt3A_1177 : i32
      %ne3A_1179 = arith.xori %lt3A_1176, %lt3A_1178 : i1
      %and3A_1180 = arith.andi %ne3A_1179, %ne3A_1174 : i1
      %add3A_1181 = arith.addi %rem3A_1172, %select_n3A_1171 : i32
      %select_n3A_1182 = arith.select %and3A_1180, %add3A_1181, %rem3A_1172 : i32
      %mul3A_1183 = arith.constant 64 : i32
      %mul3A_1184 = arith.muli %select_n3A_1182, %mul3A_1183 : i32
      %mul3A_1185 = arith.constant 4096 : i32
      %mul3A_1186 = arith.muli %select_n3A_1166, %mul3A_1185 : i32
      %add3A_1187 = arith.addi %mul3A_1186, %mul3A_2 : i32
      %add3A_1188 = arith.addi %add3A_1187, %mul3A_1184 : i32
      %dma_wait3A_1189 = arith.constant 0 : i32
      %dma_wait3A_1190 = tpu.memref_slice %arg4[%add3A_1188, %dma_wait3A_1189] : memref<204800x128xf32, #tpu.memory_space<hbm>> -> memref<64x128xf32, #tpu.memory_space<hbm>>
      %dma_wait3A_1191 = arith.constant 0 : i32
      %dma_wait3A_1192 = tpu.memref_slice %arg4[%add3A_1188, %dma_wait3A_1191] : memref<204800x128xf32, #tpu.memory_space<hbm>> -> memref<64x128xf32, #tpu.memory_space<hbm>>
      tpu.wait_dma2 semaphore(%arg32 : memref<!tpu.dma_semaphore, #tpu.memory_space<semaphore_mem>>) src(%arg12 : memref<64x128xf32, #tpu.memory_space<vmem>>) dst(%dma_wait3A_1192 : memref<64x128xf32, #tpu.memory_space<hbm>>)
      %add3A_1193 = arith.constant 6 : i32
      %add3A_1194 = arith.addi %add3A_80, %add3A_1193 : i32
      %add3A_1195 = arith.constant 10 : i32
      %add3A_1196 = arith.addi %add3A_1194, %add3A_1195 : i32
      %lt3A_1197 = arith.constant 100 : i32
      %lt3A_1198 = arith.cmpi slt, %add3A_1196, %lt3A_1197 : i32
      %convert_element_type3A_1199 = arith.extui %lt3A_1198 : i1 to i32
      %cond3A_1200 = arith.constant 0 : i32
      %cond3A_1201 = arith.cmpi ne, %convert_element_type3A_1199, %cond3A_1200 : i32
      scf.if %cond3A_1201 {
        %add3A_1688 = arith.constant 6 : i32
        %add3A_1689 = arith.addi %add3A_80, %add3A_1688 : i32
        %add3A_1690 = arith.constant 10 : i32
        %add3A_1691 = arith.addi %add3A_1689, %add3A_1690 : i32
        %jit3A_1692 = arith.constant 2 : i32
        %div3A_1693 = arith.divsi %add3A_1691, %jit3A_1692 : i32
        %sign3A_1694 = arith.constant 0 : i32
        %sign3A_1695 = arith.cmpi sgt, %add3A_1691, %sign3A_1694 : i32
        %sign3A_1696 = arith.extui %sign3A_1695 : i1 to i32
        %sign3A_1697 = arith.constant 0 : i32
        %sign3A_1698 = arith.cmpi slt, %add3A_1691, %sign3A_1697 : i32
        %sign3A_1699 = arith.extui %sign3A_1698 : i1 to i32
        %sign3A_1700 = arith.subi %sign3A_1696, %sign3A_1699 : i32
        %sign3A_1701 = arith.constant 0 : i32
        %sign3A_1702 = arith.cmpi sgt, %jit3A_1692, %sign3A_1701 : i32
        %sign3A_1703 = arith.extui %sign3A_1702 : i1 to i32
        %sign3A_1704 = arith.constant 0 : i32
        %sign3A_1705 = arith.cmpi slt, %jit3A_1692, %sign3A_1704 : i32
        %sign3A_1706 = arith.extui %sign3A_1705 : i1 to i32
        %sign3A_1707 = arith.subi %sign3A_1703, %sign3A_1706 : i32
        %ne3A_1708 = arith.cmpi ne, %sign3A_1700, %sign3A_1707 : i32
        %rem3A_1709 = arith.remsi %add3A_1691, %jit3A_1692 : i32
        %ne3A_1710 = arith.constant 0 : i32
        %ne3A_1711 = arith.cmpi ne, %rem3A_1709, %ne3A_1710 : i32
        %and3A_1712 = arith.andi %ne3A_1708, %ne3A_1711 : i1
        %sub3A_1713 = arith.constant 1 : i32
        %sub3A_1714 = arith.subi %div3A_1693, %sub3A_1713 : i32
        %select_n3A_1715 = arith.select %and3A_1712, %sub3A_1714, %div3A_1693 : i32
        %jit3A_1716 = arith.constant 2 : i32
        %eq3A_1717 = arith.constant 0 : i32
        %eq3A_1718 = arith.cmpi eq, %jit3A_1716, %eq3A_1717 : i32
        %jit3A_1719 = arith.constant 1 : i32
        %select_n3A_1720 = arith.select %eq3A_1718, %jit3A_1719, %jit3A_1716 : i32
        %rem3A_1721 = arith.remsi %add3A_1691, %select_n3A_1720 : i32
        %ne3A_1722 = arith.constant 0 : i32
        %ne3A_1723 = arith.cmpi ne, %rem3A_1721, %ne3A_1722 : i32
        %lt3A_1724 = arith.constant 0 : i32
        %lt3A_1725 = arith.cmpi slt, %rem3A_1721, %lt3A_1724 : i32
        %lt3A_1726 = arith.constant 0 : i32
        %lt3A_1727 = arith.cmpi slt, %select_n3A_1720, %lt3A_1726 : i32
        %ne3A_1728 = arith.xori %lt3A_1725, %lt3A_1727 : i1
        %and3A_1729 = arith.andi %ne3A_1728, %ne3A_1723 : i1
        %add3A_1730 = arith.addi %rem3A_1721, %select_n3A_1720 : i32
        %select_n3A_1731 = arith.select %and3A_1729, %add3A_1730, %rem3A_1721 : i32
        %mul3A_1732 = arith.constant 64 : i32
        %mul3A_1733 = arith.muli %select_n3A_1731, %mul3A_1732 : i32
        %dma_start3A_1734 = tpu.memref_slice %arg5[%select_n3A_1715, %mul3A_1733] : memref<50x128xi32, #tpu.memory_space<vmem>> -> memref<1x64xi32, #tpu.memory_space<vmem>>
        %dma_start3A_1735 = tpu.memref_squeeze %dma_start3A_1734 : memref<1x64xi32, #tpu.memory_space<vmem>> -> memref<64xi32, #tpu.memory_space<vmem>>
        %dma_start3A_1736 = arith.constant 0 : i32
        %dma_start3A_1737 = arith.constant 0 : i32
        %dma_start3A_1738 = tpu.memref_slice %arg2[%dma_start3A_1736, %dma_start3A_1737] : memref<100000x128xf32, #tpu.memory_space<hbm>> -> memref<100000x128xf32, #tpu.memory_space<hbm>>
        tpu.enqueue_indirect_dma source(%dma_start3A_1738 : memref<100000x128xf32, #tpu.memory_space<hbm>>) target(%arg12 : memref<64x128xf32, #tpu.memory_space<vmem>>) offsets(%dma_start3A_1735 : memref<64xi32, #tpu.memory_space<vmem>>) semaphore(%arg22 : memref<!tpu.dma_semaphore, #tpu.memory_space<semaphore_mem>>)
      } else {
      }
      %add3A_1202 = arith.constant 7 : i32
      %add3A_1203 = arith.addi %add3A_80, %add3A_1202 : i32
      %jit3A_1204 = arith.constant 2 : i32
      %div3A_1205 = arith.divsi %add3A_1203, %jit3A_1204 : i32
      %sign3A_1206 = arith.constant 0 : i32
      %sign3A_1207 = arith.cmpi sgt, %add3A_1203, %sign3A_1206 : i32
      %sign3A_1208 = arith.extui %sign3A_1207 : i1 to i32
      %sign3A_1209 = arith.constant 0 : i32
      %sign3A_1210 = arith.cmpi slt, %add3A_1203, %sign3A_1209 : i32
      %sign3A_1211 = arith.extui %sign3A_1210 : i1 to i32
      %sign3A_1212 = arith.subi %sign3A_1208, %sign3A_1211 : i32
      %sign3A_1213 = arith.constant 0 : i32
      %sign3A_1214 = arith.cmpi sgt, %jit3A_1204, %sign3A_1213 : i32
      %sign3A_1215 = arith.extui %sign3A_1214 : i1 to i32
      %sign3A_1216 = arith.constant 0 : i32
      %sign3A_1217 = arith.cmpi slt, %jit3A_1204, %sign3A_1216 : i32
      %sign3A_1218 = arith.extui %sign3A_1217 : i1 to i32
      %sign3A_1219 = arith.subi %sign3A_1215, %sign3A_1218 : i32
      %ne3A_1220 = arith.cmpi ne, %sign3A_1212, %sign3A_1219 : i32
      %rem3A_1221 = arith.remsi %add3A_1203, %jit3A_1204 : i32
      %ne3A_1222 = arith.constant 0 : i32
      %ne3A_1223 = arith.cmpi ne, %rem3A_1221, %ne3A_1222 : i32
      %and3A_1224 = arith.andi %ne3A_1220, %ne3A_1223 : i1
      %sub3A_1225 = arith.constant 1 : i32
      %sub3A_1226 = arith.subi %div3A_1205, %sub3A_1225 : i32
      %select_n3A_1227 = arith.select %and3A_1224, %sub3A_1226, %div3A_1205 : i32
      %jit3A_1228 = arith.constant 2 : i32
      %eq3A_1229 = arith.constant 0 : i32
      %eq3A_1230 = arith.cmpi eq, %jit3A_1228, %eq3A_1229 : i32
      %jit3A_1231 = arith.constant 1 : i32
      %select_n3A_1232 = arith.select %eq3A_1230, %jit3A_1231, %jit3A_1228 : i32
      %rem3A_1233 = arith.remsi %add3A_1203, %select_n3A_1232 : i32
      %ne3A_1234 = arith.constant 0 : i32
      %ne3A_1235 = arith.cmpi ne, %rem3A_1233, %ne3A_1234 : i32
      %lt3A_1236 = arith.constant 0 : i32
      %lt3A_1237 = arith.cmpi slt, %rem3A_1233, %lt3A_1236 : i32
      %lt3A_1238 = arith.constant 0 : i32
      %lt3A_1239 = arith.cmpi slt, %select_n3A_1232, %lt3A_1238 : i32
      %ne3A_1240 = arith.xori %lt3A_1237, %lt3A_1239 : i1
      %and3A_1241 = arith.andi %ne3A_1240, %ne3A_1235 : i1
      %add3A_1242 = arith.addi %rem3A_1233, %select_n3A_1232 : i32
      %select_n3A_1243 = arith.select %and3A_1241, %add3A_1242, %rem3A_1233 : i32
      %mul3A_1244 = arith.constant 64 : i32
      %mul3A_1245 = arith.muli %select_n3A_1243, %mul3A_1244 : i32
      %dma_wait3A_1246 = tpu.memref_slice %arg5[%select_n3A_1227, %mul3A_1245] : memref<50x128xi32, #tpu.memory_space<vmem>> -> memref<1x64xi32, #tpu.memory_space<vmem>>
      %dma_wait3A_1247 = tpu.memref_squeeze %dma_wait3A_1246 : memref<1x64xi32, #tpu.memory_space<vmem>> -> memref<64xi32, #tpu.memory_space<vmem>>
      %dma_wait3A_1248 = arith.constant 0 : i32
      %dma_wait3A_1249 = arith.constant 0 : i32
      %dma_wait3A_1250 = tpu.memref_slice %arg2[%dma_wait3A_1248, %dma_wait3A_1249] : memref<100000x128xf32, #tpu.memory_space<hbm>> -> memref<100000x128xf32, #tpu.memory_space<hbm>>
      tpu.wait_indirect_dma semaphore(%arg23 : memref<!tpu.dma_semaphore, #tpu.memory_space<semaphore_mem>>) src(%dma_wait3A_1250 : memref<100000x128xf32, #tpu.memory_space<hbm>>) dst(%arg13 : memref<64x128xf32, #tpu.memory_space<vmem>>)
      %add3A_1251 = arith.constant 7 : i32
      %add3A_1252 = arith.addi %add3A_80, %add3A_1251 : i32
      %jit3A_1253 = arith.constant 2 : i32
      %div3A_1254 = arith.divsi %add3A_1252, %jit3A_1253 : i32
      %sign3A_1255 = arith.constant 0 : i32
      %sign3A_1256 = arith.cmpi sgt, %add3A_1252, %sign3A_1255 : i32
      %sign3A_1257 = arith.extui %sign3A_1256 : i1 to i32
      %sign3A_1258 = arith.constant 0 : i32
      %sign3A_1259 = arith.cmpi slt, %add3A_1252, %sign3A_1258 : i32
      %sign3A_1260 = arith.extui %sign3A_1259 : i1 to i32
      %sign3A_1261 = arith.subi %sign3A_1257, %sign3A_1260 : i32
      %sign3A_1262 = arith.constant 0 : i32
      %sign3A_1263 = arith.cmpi sgt, %jit3A_1253, %sign3A_1262 : i32
      %sign3A_1264 = arith.extui %sign3A_1263 : i1 to i32
      %sign3A_1265 = arith.constant 0 : i32
      %sign3A_1266 = arith.cmpi slt, %jit3A_1253, %sign3A_1265 : i32
      %sign3A_1267 = arith.extui %sign3A_1266 : i1 to i32
      %sign3A_1268 = arith.subi %sign3A_1264, %sign3A_1267 : i32
      %ne3A_1269 = arith.cmpi ne, %sign3A_1261, %sign3A_1268 : i32
      %rem3A_1270 = arith.remsi %add3A_1252, %jit3A_1253 : i32
      %ne3A_1271 = arith.constant 0 : i32
      %ne3A_1272 = arith.cmpi ne, %rem3A_1270, %ne3A_1271 : i32
      %and3A_1273 = arith.andi %ne3A_1269, %ne3A_1272 : i1
      %sub3A_1274 = arith.constant 1 : i32
      %sub3A_1275 = arith.subi %div3A_1254, %sub3A_1274 : i32
      %select_n3A_1276 = arith.select %and3A_1273, %sub3A_1275, %div3A_1254 : i32
      %jit3A_1277 = arith.constant 2 : i32
      %eq3A_1278 = arith.constant 0 : i32
      %eq3A_1279 = arith.cmpi eq, %jit3A_1277, %eq3A_1278 : i32
      %jit3A_1280 = arith.constant 1 : i32
      %select_n3A_1281 = arith.select %eq3A_1279, %jit3A_1280, %jit3A_1277 : i32
      %rem3A_1282 = arith.remsi %add3A_1252, %select_n3A_1281 : i32
      %ne3A_1283 = arith.constant 0 : i32
      %ne3A_1284 = arith.cmpi ne, %rem3A_1282, %ne3A_1283 : i32
      %lt3A_1285 = arith.constant 0 : i32
      %lt3A_1286 = arith.cmpi slt, %rem3A_1282, %lt3A_1285 : i32
      %lt3A_1287 = arith.constant 0 : i32
      %lt3A_1288 = arith.cmpi slt, %select_n3A_1281, %lt3A_1287 : i32
      %ne3A_1289 = arith.xori %lt3A_1286, %lt3A_1288 : i1
      %and3A_1290 = arith.andi %ne3A_1289, %ne3A_1284 : i1
      %add3A_1291 = arith.addi %rem3A_1282, %select_n3A_1281 : i32
      %select_n3A_1292 = arith.select %and3A_1290, %add3A_1291, %rem3A_1282 : i32
      %mul3A_1293 = arith.constant 64 : i32
      %mul3A_1294 = arith.muli %select_n3A_1292, %mul3A_1293 : i32
      %mul3A_1295 = arith.constant 4096 : i32
      %mul3A_1296 = arith.muli %select_n3A_1276, %mul3A_1295 : i32
      %add3A_1297 = arith.addi %mul3A_1296, %mul3A_2 : i32
      %add3A_1298 = arith.addi %add3A_1297, %mul3A_1294 : i32
      %dma_start3A_1299 = arith.constant 0 : i32
      %dma_start3A_1300 = tpu.memref_slice %arg4[%add3A_1298, %dma_start3A_1299] : memref<204800x128xf32, #tpu.memory_space<hbm>> -> memref<64x128xf32, #tpu.memory_space<hbm>>
      %dma_start3A_1301 = arith.constant 0 : i32
      %dma_start3A_1302 = tpu.memref_slice %arg4[%add3A_1298, %dma_start3A_1301] : memref<204800x128xf32, #tpu.memory_space<hbm>> -> memref<64x128xf32, #tpu.memory_space<hbm>>
      tpu.enqueue_dma source(%arg13 : memref<64x128xf32, #tpu.memory_space<vmem>>) target(%dma_start3A_1302 : memref<64x128xf32, #tpu.memory_space<hbm>>) target_semaphore(%arg33 : memref<!tpu.dma_semaphore, #tpu.memory_space<semaphore_mem>>)
      %add3A_1303 = arith.constant 7 : i32
      %add3A_1304 = arith.addi %add3A_80, %add3A_1303 : i32
      %jit3A_1305 = arith.constant 2 : i32
      %div3A_1306 = arith.divsi %add3A_1304, %jit3A_1305 : i32
      %sign3A_1307 = arith.constant 0 : i32
      %sign3A_1308 = arith.cmpi sgt, %add3A_1304, %sign3A_1307 : i32
      %sign3A_1309 = arith.extui %sign3A_1308 : i1 to i32
      %sign3A_1310 = arith.constant 0 : i32
      %sign3A_1311 = arith.cmpi slt, %add3A_1304, %sign3A_1310 : i32
      %sign3A_1312 = arith.extui %sign3A_1311 : i1 to i32
      %sign3A_1313 = arith.subi %sign3A_1309, %sign3A_1312 : i32
      %sign3A_1314 = arith.constant 0 : i32
      %sign3A_1315 = arith.cmpi sgt, %jit3A_1305, %sign3A_1314 : i32
      %sign3A_1316 = arith.extui %sign3A_1315 : i1 to i32
      %sign3A_1317 = arith.constant 0 : i32
      %sign3A_1318 = arith.cmpi slt, %jit3A_1305, %sign3A_1317 : i32
      %sign3A_1319 = arith.extui %sign3A_1318 : i1 to i32
      %sign3A_1320 = arith.subi %sign3A_1316, %sign3A_1319 : i32
      %ne3A_1321 = arith.cmpi ne, %sign3A_1313, %sign3A_1320 : i32
      %rem3A_1322 = arith.remsi %add3A_1304, %jit3A_1305 : i32
      %ne3A_1323 = arith.constant 0 : i32
      %ne3A_1324 = arith.cmpi ne, %rem3A_1322, %ne3A_1323 : i32
      %and3A_1325 = arith.andi %ne3A_1321, %ne3A_1324 : i1
      %sub3A_1326 = arith.constant 1 : i32
      %sub3A_1327 = arith.subi %div3A_1306, %sub3A_1326 : i32
      %select_n3A_1328 = arith.select %and3A_1325, %sub3A_1327, %div3A_1306 : i32
      %jit3A_1329 = arith.constant 2 : i32
      %eq3A_1330 = arith.constant 0 : i32
      %eq3A_1331 = arith.cmpi eq, %jit3A_1329, %eq3A_1330 : i32
      %jit3A_1332 = arith.constant 1 : i32
      %select_n3A_1333 = arith.select %eq3A_1331, %jit3A_1332, %jit3A_1329 : i32
      %rem3A_1334 = arith.remsi %add3A_1304, %select_n3A_1333 : i32
      %ne3A_1335 = arith.constant 0 : i32
      %ne3A_1336 = arith.cmpi ne, %rem3A_1334, %ne3A_1335 : i32
      %lt3A_1337 = arith.constant 0 : i32
      %lt3A_1338 = arith.cmpi slt, %rem3A_1334, %lt3A_1337 : i32
      %lt3A_1339 = arith.constant 0 : i32
      %lt3A_1340 = arith.cmpi slt, %select_n3A_1333, %lt3A_1339 : i32
      %ne3A_1341 = arith.xori %lt3A_1338, %lt3A_1340 : i1
      %and3A_1342 = arith.andi %ne3A_1341, %ne3A_1336 : i1
      %add3A_1343 = arith.addi %rem3A_1334, %select_n3A_1333 : i32
      %select_n3A_1344 = arith.select %and3A_1342, %add3A_1343, %rem3A_1334 : i32
      %mul3A_1345 = arith.constant 64 : i32
      %mul3A_1346 = arith.muli %select_n3A_1344, %mul3A_1345 : i32
      %mul3A_1347 = arith.constant 4096 : i32
      %mul3A_1348 = arith.muli %select_n3A_1328, %mul3A_1347 : i32
      %add3A_1349 = arith.addi %mul3A_1348, %mul3A_2 : i32
      %add3A_1350 = arith.addi %add3A_1349, %mul3A_1346 : i32
      %dma_wait3A_1351 = arith.constant 0 : i32
      %dma_wait3A_1352 = tpu.memref_slice %arg4[%add3A_1350, %dma_wait3A_1351] : memref<204800x128xf32, #tpu.memory_space<hbm>> -> memref<64x128xf32, #tpu.memory_space<hbm>>
      %dma_wait3A_1353 = arith.constant 0 : i32
      %dma_wait3A_1354 = tpu.memref_slice %arg4[%add3A_1350, %dma_wait3A_1353] : memref<204800x128xf32, #tpu.memory_space<hbm>> -> memref<64x128xf32, #tpu.memory_space<hbm>>
      tpu.wait_dma2 semaphore(%arg33 : memref<!tpu.dma_semaphore, #tpu.memory_space<semaphore_mem>>) src(%arg13 : memref<64x128xf32, #tpu.memory_space<vmem>>) dst(%dma_wait3A_1354 : memref<64x128xf32, #tpu.memory_space<hbm>>)
      %add3A_1355 = arith.constant 7 : i32
      %add3A_1356 = arith.addi %add3A_80, %add3A_1355 : i32
      %add3A_1357 = arith.constant 10 : i32
      %add3A_1358 = arith.addi %add3A_1356, %add3A_1357 : i32
      %lt3A_1359 = arith.constant 100 : i32
      %lt3A_1360 = arith.cmpi slt, %add3A_1358, %lt3A_1359 : i32
      %convert_element_type3A_1361 = arith.extui %lt3A_1360 : i1 to i32
      %cond3A_1362 = arith.constant 0 : i32
      %cond3A_1363 = arith.cmpi ne, %convert_element_type3A_1361, %cond3A_1362 : i32
      scf.if %cond3A_1363 {
        %add3A_1688 = arith.constant 7 : i32
        %add3A_1689 = arith.addi %add3A_80, %add3A_1688 : i32
        %add3A_1690 = arith.constant 10 : i32
        %add3A_1691 = arith.addi %add3A_1689, %add3A_1690 : i32
        %jit3A_1692 = arith.constant 2 : i32
        %div3A_1693 = arith.divsi %add3A_1691, %jit3A_1692 : i32
        %sign3A_1694 = arith.constant 0 : i32
        %sign3A_1695 = arith.cmpi sgt, %add3A_1691, %sign3A_1694 : i32
        %sign3A_1696 = arith.extui %sign3A_1695 : i1 to i32
        %sign3A_1697 = arith.constant 0 : i32
        %sign3A_1698 = arith.cmpi slt, %add3A_1691, %sign3A_1697 : i32
        %sign3A_1699 = arith.extui %sign3A_1698 : i1 to i32
        %sign3A_1700 = arith.subi %sign3A_1696, %sign3A_1699 : i32
        %sign3A_1701 = arith.constant 0 : i32
        %sign3A_1702 = arith.cmpi sgt, %jit3A_1692, %sign3A_1701 : i32
        %sign3A_1703 = arith.extui %sign3A_1702 : i1 to i32
        %sign3A_1704 = arith.constant 0 : i32
        %sign3A_1705 = arith.cmpi slt, %jit3A_1692, %sign3A_1704 : i32
        %sign3A_1706 = arith.extui %sign3A_1705 : i1 to i32
        %sign3A_1707 = arith.subi %sign3A_1703, %sign3A_1706 : i32
        %ne3A_1708 = arith.cmpi ne, %sign3A_1700, %sign3A_1707 : i32
        %rem3A_1709 = arith.remsi %add3A_1691, %jit3A_1692 : i32
        %ne3A_1710 = arith.constant 0 : i32
        %ne3A_1711 = arith.cmpi ne, %rem3A_1709, %ne3A_1710 : i32
        %and3A_1712 = arith.andi %ne3A_1708, %ne3A_1711 : i1
        %sub3A_1713 = arith.constant 1 : i32
        %sub3A_1714 = arith.subi %div3A_1693, %sub3A_1713 : i32
        %select_n3A_1715 = arith.select %and3A_1712, %sub3A_1714, %div3A_1693 : i32
        %jit3A_1716 = arith.constant 2 : i32
        %eq3A_1717 = arith.constant 0 : i32
        %eq3A_1718 = arith.cmpi eq, %jit3A_1716, %eq3A_1717 : i32
        %jit3A_1719 = arith.constant 1 : i32
        %select_n3A_1720 = arith.select %eq3A_1718, %jit3A_1719, %jit3A_1716 : i32
        %rem3A_1721 = arith.remsi %add3A_1691, %select_n3A_1720 : i32
        %ne3A_1722 = arith.constant 0 : i32
        %ne3A_1723 = arith.cmpi ne, %rem3A_1721, %ne3A_1722 : i32
        %lt3A_1724 = arith.constant 0 : i32
        %lt3A_1725 = arith.cmpi slt, %rem3A_1721, %lt3A_1724 : i32
        %lt3A_1726 = arith.constant 0 : i32
        %lt3A_1727 = arith.cmpi slt, %select_n3A_1720, %lt3A_1726 : i32
        %ne3A_1728 = arith.xori %lt3A_1725, %lt3A_1727 : i1
        %and3A_1729 = arith.andi %ne3A_1728, %ne3A_1723 : i1
        %add3A_1730 = arith.addi %rem3A_1721, %select_n3A_1720 : i32
        %select_n3A_1731 = arith.select %and3A_1729, %add3A_1730, %rem3A_1721 : i32
        %mul3A_1732 = arith.constant 64 : i32
        %mul3A_1733 = arith.muli %select_n3A_1731, %mul3A_1732 : i32
        %dma_start3A_1734 = tpu.memref_slice %arg5[%select_n3A_1715, %mul3A_1733] : memref<50x128xi32, #tpu.memory_space<vmem>> -> memref<1x64xi32, #tpu.memory_space<vmem>>
        %dma_start3A_1735 = tpu.memref_squeeze %dma_start3A_1734 : memref<1x64xi32, #tpu.memory_space<vmem>> -> memref<64xi32, #tpu.memory_space<vmem>>
        %dma_start3A_1736 = arith.constant 0 : i32
        %dma_start3A_1737 = arith.constant 0 : i32
        %dma_start3A_1738 = tpu.memref_slice %arg2[%dma_start3A_1736, %dma_start3A_1737] : memref<100000x128xf32, #tpu.memory_space<hbm>> -> memref<100000x128xf32, #tpu.memory_space<hbm>>
        tpu.enqueue_indirect_dma source(%dma_start3A_1738 : memref<100000x128xf32, #tpu.memory_space<hbm>>) target(%arg13 : memref<64x128xf32, #tpu.memory_space<vmem>>) offsets(%dma_start3A_1735 : memref<64xi32, #tpu.memory_space<vmem>>) semaphore(%arg23 : memref<!tpu.dma_semaphore, #tpu.memory_space<semaphore_mem>>)
      } else {
      }
      %add3A_1364 = arith.constant 8 : i32
      %add3A_1365 = arith.addi %add3A_80, %add3A_1364 : i32
      %jit3A_1366 = arith.constant 2 : i32
      %div3A_1367 = arith.divsi %add3A_1365, %jit3A_1366 : i32
      %sign3A_1368 = arith.constant 0 : i32
      %sign3A_1369 = arith.cmpi sgt, %add3A_1365, %sign3A_1368 : i32
      %sign3A_1370 = arith.extui %sign3A_1369 : i1 to i32
      %sign3A_1371 = arith.constant 0 : i32
      %sign3A_1372 = arith.cmpi slt, %add3A_1365, %sign3A_1371 : i32
      %sign3A_1373 = arith.extui %sign3A_1372 : i1 to i32
      %sign3A_1374 = arith.subi %sign3A_1370, %sign3A_1373 : i32
      %sign3A_1375 = arith.constant 0 : i32
      %sign3A_1376 = arith.cmpi sgt, %jit3A_1366, %sign3A_1375 : i32
      %sign3A_1377 = arith.extui %sign3A_1376 : i1 to i32
      %sign3A_1378 = arith.constant 0 : i32
      %sign3A_1379 = arith.cmpi slt, %jit3A_1366, %sign3A_1378 : i32
      %sign3A_1380 = arith.extui %sign3A_1379 : i1 to i32
      %sign3A_1381 = arith.subi %sign3A_1377, %sign3A_1380 : i32
      %ne3A_1382 = arith.cmpi ne, %sign3A_1374, %sign3A_1381 : i32
      %rem3A_1383 = arith.remsi %add3A_1365, %jit3A_1366 : i32
      %ne3A_1384 = arith.constant 0 : i32
      %ne3A_1385 = arith.cmpi ne, %rem3A_1383, %ne3A_1384 : i32
      %and3A_1386 = arith.andi %ne3A_1382, %ne3A_1385 : i1
      %sub3A_1387 = arith.constant 1 : i32
      %sub3A_1388 = arith.subi %div3A_1367, %sub3A_1387 : i32
      %select_n3A_1389 = arith.select %and3A_1386, %sub3A_1388, %div3A_1367 : i32
      %jit3A_1390 = arith.constant 2 : i32
      %eq3A_1391 = arith.constant 0 : i32
      %eq3A_1392 = arith.cmpi eq, %jit3A_1390, %eq3A_1391 : i32
      %jit3A_1393 = arith.constant 1 : i32
      %select_n3A_1394 = arith.select %eq3A_1392, %jit3A_1393, %jit3A_1390 : i32
      %rem3A_1395 = arith.remsi %add3A_1365, %select_n3A_1394 : i32
      %ne3A_1396 = arith.constant 0 : i32
      %ne3A_1397 = arith.cmpi ne, %rem3A_1395, %ne3A_1396 : i32
      %lt3A_1398 = arith.constant 0 : i32
      %lt3A_1399 = arith.cmpi slt, %rem3A_1395, %lt3A_1398 : i32
      %lt3A_1400 = arith.constant 0 : i32
      %lt3A_1401 = arith.cmpi slt, %select_n3A_1394, %lt3A_1400 : i32
      %ne3A_1402 = arith.xori %lt3A_1399, %lt3A_1401 : i1
      %and3A_1403 = arith.andi %ne3A_1402, %ne3A_1397 : i1
      %add3A_1404 = arith.addi %rem3A_1395, %select_n3A_1394 : i32
      %select_n3A_1405 = arith.select %and3A_1403, %add3A_1404, %rem3A_1395 : i32
      %mul3A_1406 = arith.constant 64 : i32
      %mul3A_1407 = arith.muli %select_n3A_1405, %mul3A_1406 : i32
      %dma_wait3A_1408 = tpu.memref_slice %arg5[%select_n3A_1389, %mul3A_1407] : memref<50x128xi32, #tpu.memory_space<vmem>> -> memref<1x64xi32, #tpu.memory_space<vmem>>
      %dma_wait3A_1409 = tpu.memref_squeeze %dma_wait3A_1408 : memref<1x64xi32, #tpu.memory_space<vmem>> -> memref<64xi32, #tpu.memory_space<vmem>>
      %dma_wait3A_1410 = arith.constant 0 : i32
      %dma_wait3A_1411 = arith.constant 0 : i32
      %dma_wait3A_1412 = tpu.memref_slice %arg2[%dma_wait3A_1410, %dma_wait3A_1411] : memref<100000x128xf32, #tpu.memory_space<hbm>> -> memref<100000x128xf32, #tpu.memory_space<hbm>>
      tpu.wait_indirect_dma semaphore(%arg24 : memref<!tpu.dma_semaphore, #tpu.memory_space<semaphore_mem>>) src(%dma_wait3A_1412 : memref<100000x128xf32, #tpu.memory_space<hbm>>) dst(%arg14 : memref<64x128xf32, #tpu.memory_space<vmem>>)
      %add3A_1413 = arith.constant 8 : i32
      %add3A_1414 = arith.addi %add3A_80, %add3A_1413 : i32
      %jit3A_1415 = arith.constant 2 : i32
      %div3A_1416 = arith.divsi %add3A_1414, %jit3A_1415 : i32
      %sign3A_1417 = arith.constant 0 : i32
      %sign3A_1418 = arith.cmpi sgt, %add3A_1414, %sign3A_1417 : i32
      %sign3A_1419 = arith.extui %sign3A_1418 : i1 to i32
      %sign3A_1420 = arith.constant 0 : i32
      %sign3A_1421 = arith.cmpi slt, %add3A_1414, %sign3A_1420 : i32
      %sign3A_1422 = arith.extui %sign3A_1421 : i1 to i32
      %sign3A_1423 = arith.subi %sign3A_1419, %sign3A_1422 : i32
      %sign3A_1424 = arith.constant 0 : i32
      %sign3A_1425 = arith.cmpi sgt, %jit3A_1415, %sign3A_1424 : i32
      %sign3A_1426 = arith.extui %sign3A_1425 : i1 to i32
      %sign3A_1427 = arith.constant 0 : i32
      %sign3A_1428 = arith.cmpi slt, %jit3A_1415, %sign3A_1427 : i32
      %sign3A_1429 = arith.extui %sign3A_1428 : i1 to i32
      %sign3A_1430 = arith.subi %sign3A_1426, %sign3A_1429 : i32
      %ne3A_1431 = arith.cmpi ne, %sign3A_1423, %sign3A_1430 : i32
      %rem3A_1432 = arith.remsi %add3A_1414, %jit3A_1415 : i32
      %ne3A_1433 = arith.constant 0 : i32
      %ne3A_1434 = arith.cmpi ne, %rem3A_1432, %ne3A_1433 : i32
      %and3A_1435 = arith.andi %ne3A_1431, %ne3A_1434 : i1
      %sub3A_1436 = arith.constant 1 : i32
      %sub3A_1437 = arith.subi %div3A_1416, %sub3A_1436 : i32
      %select_n3A_1438 = arith.select %and3A_1435, %sub3A_1437, %div3A_1416 : i32
      %jit3A_1439 = arith.constant 2 : i32
      %eq3A_1440 = arith.constant 0 : i32
      %eq3A_1441 = arith.cmpi eq, %jit3A_1439, %eq3A_1440 : i32
      %jit3A_1442 = arith.constant 1 : i32
      %select_n3A_1443 = arith.select %eq3A_1441, %jit3A_1442, %jit3A_1439 : i32
      %rem3A_1444 = arith.remsi %add3A_1414, %select_n3A_1443 : i32
      %ne3A_1445 = arith.constant 0 : i32
      %ne3A_1446 = arith.cmpi ne, %rem3A_1444, %ne3A_1445 : i32
      %lt3A_1447 = arith.constant 0 : i32
      %lt3A_1448 = arith.cmpi slt, %rem3A_1444, %lt3A_1447 : i32
      %lt3A_1449 = arith.constant 0 : i32
      %lt3A_1450 = arith.cmpi slt, %select_n3A_1443, %lt3A_1449 : i32
      %ne3A_1451 = arith.xori %lt3A_1448, %lt3A_1450 : i1
      %and3A_1452 = arith.andi %ne3A_1451, %ne3A_1446 : i1
      %add3A_1453 = arith.addi %rem3A_1444, %select_n3A_1443 : i32
      %select_n3A_1454 = arith.select %and3A_1452, %add3A_1453, %rem3A_1444 : i32
      %mul3A_1455 = arith.constant 64 : i32
      %mul3A_1456 = arith.muli %select_n3A_1454, %mul3A_1455 : i32
      %mul3A_1457 = arith.constant 4096 : i32
      %mul3A_1458 = arith.muli %select_n3A_1438, %mul3A_1457 : i32
      %add3A_1459 = arith.addi %mul3A_1458, %mul3A_2 : i32
      %add3A_1460 = arith.addi %add3A_1459, %mul3A_1456 : i32
      %dma_start3A_1461 = arith.constant 0 : i32
      %dma_start3A_1462 = tpu.memref_slice %arg4[%add3A_1460, %dma_start3A_1461] : memref<204800x128xf32, #tpu.memory_space<hbm>> -> memref<64x128xf32, #tpu.memory_space<hbm>>
      %dma_start3A_1463 = arith.constant 0 : i32
      %dma_start3A_1464 = tpu.memref_slice %arg4[%add3A_1460, %dma_start3A_1463] : memref<204800x128xf32, #tpu.memory_space<hbm>> -> memref<64x128xf32, #tpu.memory_space<hbm>>
      tpu.enqueue_dma source(%arg14 : memref<64x128xf32, #tpu.memory_space<vmem>>) target(%dma_start3A_1464 : memref<64x128xf32, #tpu.memory_space<hbm>>) target_semaphore(%arg34 : memref<!tpu.dma_semaphore, #tpu.memory_space<semaphore_mem>>)
      %add3A_1465 = arith.constant 8 : i32
      %add3A_1466 = arith.addi %add3A_80, %add3A_1465 : i32
      %jit3A_1467 = arith.constant 2 : i32
      %div3A_1468 = arith.divsi %add3A_1466, %jit3A_1467 : i32
      %sign3A_1469 = arith.constant 0 : i32
      %sign3A_1470 = arith.cmpi sgt, %add3A_1466, %sign3A_1469 : i32
      %sign3A_1471 = arith.extui %sign3A_1470 : i1 to i32
      %sign3A_1472 = arith.constant 0 : i32
      %sign3A_1473 = arith.cmpi slt, %add3A_1466, %sign3A_1472 : i32
      %sign3A_1474 = arith.extui %sign3A_1473 : i1 to i32
      %sign3A_1475 = arith.subi %sign3A_1471, %sign3A_1474 : i32
      %sign3A_1476 = arith.constant 0 : i32
      %sign3A_1477 = arith.cmpi sgt, %jit3A_1467, %sign3A_1476 : i32
      %sign3A_1478 = arith.extui %sign3A_1477 : i1 to i32
      %sign3A_1479 = arith.constant 0 : i32
      %sign3A_1480 = arith.cmpi slt, %jit3A_1467, %sign3A_1479 : i32
      %sign3A_1481 = arith.extui %sign3A_1480 : i1 to i32
      %sign3A_1482 = arith.subi %sign3A_1478, %sign3A_1481 : i32
      %ne3A_1483 = arith.cmpi ne, %sign3A_1475, %sign3A_1482 : i32
      %rem3A_1484 = arith.remsi %add3A_1466, %jit3A_1467 : i32
      %ne3A_1485 = arith.constant 0 : i32
      %ne3A_1486 = arith.cmpi ne, %rem3A_1484, %ne3A_1485 : i32
      %and3A_1487 = arith.andi %ne3A_1483, %ne3A_1486 : i1
      %sub3A_1488 = arith.constant 1 : i32
      %sub3A_1489 = arith.subi %div3A_1468, %sub3A_1488 : i32
      %select_n3A_1490 = arith.select %and3A_1487, %sub3A_1489, %div3A_1468 : i32
      %jit3A_1491 = arith.constant 2 : i32
      %eq3A_1492 = arith.constant 0 : i32
      %eq3A_1493 = arith.cmpi eq, %jit3A_1491, %eq3A_1492 : i32
      %jit3A_1494 = arith.constant 1 : i32
      %select_n3A_1495 = arith.select %eq3A_1493, %jit3A_1494, %jit3A_1491 : i32
      %rem3A_1496 = arith.remsi %add3A_1466, %select_n3A_1495 : i32
      %ne3A_1497 = arith.constant 0 : i32
      %ne3A_1498 = arith.cmpi ne, %rem3A_1496, %ne3A_1497 : i32
      %lt3A_1499 = arith.constant 0 : i32
      %lt3A_1500 = arith.cmpi slt, %rem3A_1496, %lt3A_1499 : i32
      %lt3A_1501 = arith.constant 0 : i32
      %lt3A_1502 = arith.cmpi slt, %select_n3A_1495, %lt3A_1501 : i32
      %ne3A_1503 = arith.xori %lt3A_1500, %lt3A_1502 : i1
      %and3A_1504 = arith.andi %ne3A_1503, %ne3A_1498 : i1
      %add3A_1505 = arith.addi %rem3A_1496, %select_n3A_1495 : i32
      %select_n3A_1506 = arith.select %and3A_1504, %add3A_1505, %rem3A_1496 : i32
      %mul3A_1507 = arith.constant 64 : i32
      %mul3A_1508 = arith.muli %select_n3A_1506, %mul3A_1507 : i32
      %mul3A_1509 = arith.constant 4096 : i32
      %mul3A_1510 = arith.muli %select_n3A_1490, %mul3A_1509 : i32
      %add3A_1511 = arith.addi %mul3A_1510, %mul3A_2 : i32
      %add3A_1512 = arith.addi %add3A_1511, %mul3A_1508 : i32
      %dma_wait3A_1513 = arith.constant 0 : i32
      %dma_wait3A_1514 = tpu.memref_slice %arg4[%add3A_1512, %dma_wait3A_1513] : memref<204800x128xf32, #tpu.memory_space<hbm>> -> memref<64x128xf32, #tpu.memory_space<hbm>>
      %dma_wait3A_1515 = arith.constant 0 : i32
      %dma_wait3A_1516 = tpu.memref_slice %arg4[%add3A_1512, %dma_wait3A_1515] : memref<204800x128xf32, #tpu.memory_space<hbm>> -> memref<64x128xf32, #tpu.memory_space<hbm>>
      tpu.wait_dma2 semaphore(%arg34 : memref<!tpu.dma_semaphore, #tpu.memory_space<semaphore_mem>>) src(%arg14 : memref<64x128xf32, #tpu.memory_space<vmem>>) dst(%dma_wait3A_1516 : memref<64x128xf32, #tpu.memory_space<hbm>>)
      %add3A_1517 = arith.constant 8 : i32
      %add3A_1518 = arith.addi %add3A_80, %add3A_1517 : i32
      %add3A_1519 = arith.constant 10 : i32
      %add3A_1520 = arith.addi %add3A_1518, %add3A_1519 : i32
      %lt3A_1521 = arith.constant 100 : i32
      %lt3A_1522 = arith.cmpi slt, %add3A_1520, %lt3A_1521 : i32
      %convert_element_type3A_1523 = arith.extui %lt3A_1522 : i1 to i32
      %cond3A_1524 = arith.constant 0 : i32
      %cond3A_1525 = arith.cmpi ne, %convert_element_type3A_1523, %cond3A_1524 : i32
      scf.if %cond3A_1525 {
        %add3A_1688 = arith.constant 8 : i32
        %add3A_1689 = arith.addi %add3A_80, %add3A_1688 : i32
        %add3A_1690 = arith.constant 10 : i32
        %add3A_1691 = arith.addi %add3A_1689, %add3A_1690 : i32
        %jit3A_1692 = arith.constant 2 : i32
        %div3A_1693 = arith.divsi %add3A_1691, %jit3A_1692 : i32
        %sign3A_1694 = arith.constant 0 : i32
        %sign3A_1695 = arith.cmpi sgt, %add3A_1691, %sign3A_1694 : i32
        %sign3A_1696 = arith.extui %sign3A_1695 : i1 to i32
        %sign3A_1697 = arith.constant 0 : i32
        %sign3A_1698 = arith.cmpi slt, %add3A_1691, %sign3A_1697 : i32
        %sign3A_1699 = arith.extui %sign3A_1698 : i1 to i32
        %sign3A_1700 = arith.subi %sign3A_1696, %sign3A_1699 : i32
        %sign3A_1701 = arith.constant 0 : i32
        %sign3A_1702 = arith.cmpi sgt, %jit3A_1692, %sign3A_1701 : i32
        %sign3A_1703 = arith.extui %sign3A_1702 : i1 to i32
        %sign3A_1704 = arith.constant 0 : i32
        %sign3A_1705 = arith.cmpi slt, %jit3A_1692, %sign3A_1704 : i32
        %sign3A_1706 = arith.extui %sign3A_1705 : i1 to i32
        %sign3A_1707 = arith.subi %sign3A_1703, %sign3A_1706 : i32
        %ne3A_1708 = arith.cmpi ne, %sign3A_1700, %sign3A_1707 : i32
        %rem3A_1709 = arith.remsi %add3A_1691, %jit3A_1692 : i32
        %ne3A_1710 = arith.constant 0 : i32
        %ne3A_1711 = arith.cmpi ne, %rem3A_1709, %ne3A_1710 : i32
        %and3A_1712 = arith.andi %ne3A_1708, %ne3A_1711 : i1
        %sub3A_1713 = arith.constant 1 : i32
        %sub3A_1714 = arith.subi %div3A_1693, %sub3A_1713 : i32
        %select_n3A_1715 = arith.select %and3A_1712, %sub3A_1714, %div3A_1693 : i32
        %jit3A_1716 = arith.constant 2 : i32
        %eq3A_1717 = arith.constant 0 : i32
        %eq3A_1718 = arith.cmpi eq, %jit3A_1716, %eq3A_1717 : i32
        %jit3A_1719 = arith.constant 1 : i32
        %select_n3A_1720 = arith.select %eq3A_1718, %jit3A_1719, %jit3A_1716 : i32
        %rem3A_1721 = arith.remsi %add3A_1691, %select_n3A_1720 : i32
        %ne3A_1722 = arith.constant 0 : i32
        %ne3A_1723 = arith.cmpi ne, %rem3A_1721, %ne3A_1722 : i32
        %lt3A_1724 = arith.constant 0 : i32
        %lt3A_1725 = arith.cmpi slt, %rem3A_1721, %lt3A_1724 : i32
        %lt3A_1726 = arith.constant 0 : i32
        %lt3A_1727 = arith.cmpi slt, %select_n3A_1720, %lt3A_1726 : i32
        %ne3A_1728 = arith.xori %lt3A_1725, %lt3A_1727 : i1
        %and3A_1729 = arith.andi %ne3A_1728, %ne3A_1723 : i1
        %add3A_1730 = arith.addi %rem3A_1721, %select_n3A_1720 : i32
        %select_n3A_1731 = arith.select %and3A_1729, %add3A_1730, %rem3A_1721 : i32
        %mul3A_1732 = arith.constant 64 : i32
        %mul3A_1733 = arith.muli %select_n3A_1731, %mul3A_1732 : i32
        %dma_start3A_1734 = tpu.memref_slice %arg5[%select_n3A_1715, %mul3A_1733] : memref<50x128xi32, #tpu.memory_space<vmem>> -> memref<1x64xi32, #tpu.memory_space<vmem>>
        %dma_start3A_1735 = tpu.memref_squeeze %dma_start3A_1734 : memref<1x64xi32, #tpu.memory_space<vmem>> -> memref<64xi32, #tpu.memory_space<vmem>>
        %dma_start3A_1736 = arith.constant 0 : i32
        %dma_start3A_1737 = arith.constant 0 : i32
        %dma_start3A_1738 = tpu.memref_slice %arg2[%dma_start3A_1736, %dma_start3A_1737] : memref<100000x128xf32, #tpu.memory_space<hbm>> -> memref<100000x128xf32, #tpu.memory_space<hbm>>
        tpu.enqueue_indirect_dma source(%dma_start3A_1738 : memref<100000x128xf32, #tpu.memory_space<hbm>>) target(%arg14 : memref<64x128xf32, #tpu.memory_space<vmem>>) offsets(%dma_start3A_1735 : memref<64xi32, #tpu.memory_space<vmem>>) semaphore(%arg24 : memref<!tpu.dma_semaphore, #tpu.memory_space<semaphore_mem>>)
      } else {
      }
      %add3A_1526 = arith.constant 9 : i32
      %add3A_1527 = arith.addi %add3A_80, %add3A_1526 : i32
      %jit3A_1528 = arith.constant 2 : i32
      %div3A_1529 = arith.divsi %add3A_1527, %jit3A_1528 : i32
      %sign3A_1530 = arith.constant 0 : i32
      %sign3A_1531 = arith.cmpi sgt, %add3A_1527, %sign3A_1530 : i32
      %sign3A_1532 = arith.extui %sign3A_1531 : i1 to i32
      %sign3A_1533 = arith.constant 0 : i32
      %sign3A_1534 = arith.cmpi slt, %add3A_1527, %sign3A_1533 : i32
      %sign3A_1535 = arith.extui %sign3A_1534 : i1 to i32
      %sign3A_1536 = arith.subi %sign3A_1532, %sign3A_1535 : i32
      %sign3A_1537 = arith.constant 0 : i32
      %sign3A_1538 = arith.cmpi sgt, %jit3A_1528, %sign3A_1537 : i32
      %sign3A_1539 = arith.extui %sign3A_1538 : i1 to i32
      %sign3A_1540 = arith.constant 0 : i32
      %sign3A_1541 = arith.cmpi slt, %jit3A_1528, %sign3A_1540 : i32
      %sign3A_1542 = arith.extui %sign3A_1541 : i1 to i32
      %sign3A_1543 = arith.subi %sign3A_1539, %sign3A_1542 : i32
      %ne3A_1544 = arith.cmpi ne, %sign3A_1536, %sign3A_1543 : i32
      %rem3A_1545 = arith.remsi %add3A_1527, %jit3A_1528 : i32
      %ne3A_1546 = arith.constant 0 : i32
      %ne3A_1547 = arith.cmpi ne, %rem3A_1545, %ne3A_1546 : i32
      %and3A_1548 = arith.andi %ne3A_1544, %ne3A_1547 : i1
      %sub3A_1549 = arith.constant 1 : i32
      %sub3A_1550 = arith.subi %div3A_1529, %sub3A_1549 : i32
      %select_n3A_1551 = arith.select %and3A_1548, %sub3A_1550, %div3A_1529 : i32
      %jit3A_1552 = arith.constant 2 : i32
      %eq3A_1553 = arith.constant 0 : i32
      %eq3A_1554 = arith.cmpi eq, %jit3A_1552, %eq3A_1553 : i32
      %jit3A_1555 = arith.constant 1 : i32
      %select_n3A_1556 = arith.select %eq3A_1554, %jit3A_1555, %jit3A_1552 : i32
      %rem3A_1557 = arith.remsi %add3A_1527, %select_n3A_1556 : i32
      %ne3A_1558 = arith.constant 0 : i32
      %ne3A_1559 = arith.cmpi ne, %rem3A_1557, %ne3A_1558 : i32
      %lt3A_1560 = arith.constant 0 : i32
      %lt3A_1561 = arith.cmpi slt, %rem3A_1557, %lt3A_1560 : i32
      %lt3A_1562 = arith.constant 0 : i32
      %lt3A_1563 = arith.cmpi slt, %select_n3A_1556, %lt3A_1562 : i32
      %ne3A_1564 = arith.xori %lt3A_1561, %lt3A_1563 : i1
      %and3A_1565 = arith.andi %ne3A_1564, %ne3A_1559 : i1
      %add3A_1566 = arith.addi %rem3A_1557, %select_n3A_1556 : i32
      %select_n3A_1567 = arith.select %and3A_1565, %add3A_1566, %rem3A_1557 : i32
      %mul3A_1568 = arith.constant 64 : i32
      %mul3A_1569 = arith.muli %select_n3A_1567, %mul3A_1568 : i32
      %dma_wait3A_1570 = tpu.memref_slice %arg5[%select_n3A_1551, %mul3A_1569] : memref<50x128xi32, #tpu.memory_space<vmem>> -> memref<1x64xi32, #tpu.memory_space<vmem>>
      %dma_wait3A_1571 = tpu.memref_squeeze %dma_wait3A_1570 : memref<1x64xi32, #tpu.memory_space<vmem>> -> memref<64xi32, #tpu.memory_space<vmem>>
      %dma_wait3A_1572 = arith.constant 0 : i32
      %dma_wait3A_1573 = arith.constant 0 : i32
      %dma_wait3A_1574 = tpu.memref_slice %arg2[%dma_wait3A_1572, %dma_wait3A_1573] : memref<100000x128xf32, #tpu.memory_space<hbm>> -> memref<100000x128xf32, #tpu.memory_space<hbm>>
      tpu.wait_indirect_dma semaphore(%arg25 : memref<!tpu.dma_semaphore, #tpu.memory_space<semaphore_mem>>) src(%dma_wait3A_1574 : memref<100000x128xf32, #tpu.memory_space<hbm>>) dst(%arg15 : memref<64x128xf32, #tpu.memory_space<vmem>>)
      %add3A_1575 = arith.constant 9 : i32
      %add3A_1576 = arith.addi %add3A_80, %add3A_1575 : i32
      %jit3A_1577 = arith.constant 2 : i32
      %div3A_1578 = arith.divsi %add3A_1576, %jit3A_1577 : i32
      %sign3A_1579 = arith.constant 0 : i32
      %sign3A_1580 = arith.cmpi sgt, %add3A_1576, %sign3A_1579 : i32
      %sign3A_1581 = arith.extui %sign3A_1580 : i1 to i32
      %sign3A_1582 = arith.constant 0 : i32
      %sign3A_1583 = arith.cmpi slt, %add3A_1576, %sign3A_1582 : i32
      %sign3A_1584 = arith.extui %sign3A_1583 : i1 to i32
      %sign3A_1585 = arith.subi %sign3A_1581, %sign3A_1584 : i32
      %sign3A_1586 = arith.constant 0 : i32
      %sign3A_1587 = arith.cmpi sgt, %jit3A_1577, %sign3A_1586 : i32
      %sign3A_1588 = arith.extui %sign3A_1587 : i1 to i32
      %sign3A_1589 = arith.constant 0 : i32
      %sign3A_1590 = arith.cmpi slt, %jit3A_1577, %sign3A_1589 : i32
      %sign3A_1591 = arith.extui %sign3A_1590 : i1 to i32
      %sign3A_1592 = arith.subi %sign3A_1588, %sign3A_1591 : i32
      %ne3A_1593 = arith.cmpi ne, %sign3A_1585, %sign3A_1592 : i32
      %rem3A_1594 = arith.remsi %add3A_1576, %jit3A_1577 : i32
      %ne3A_1595 = arith.constant 0 : i32
      %ne3A_1596 = arith.cmpi ne, %rem3A_1594, %ne3A_1595 : i32
      %and3A_1597 = arith.andi %ne3A_1593, %ne3A_1596 : i1
      %sub3A_1598 = arith.constant 1 : i32
      %sub3A_1599 = arith.subi %div3A_1578, %sub3A_1598 : i32
      %select_n3A_1600 = arith.select %and3A_1597, %sub3A_1599, %div3A_1578 : i32
      %jit3A_1601 = arith.constant 2 : i32
      %eq3A_1602 = arith.constant 0 : i32
      %eq3A_1603 = arith.cmpi eq, %jit3A_1601, %eq3A_1602 : i32
      %jit3A_1604 = arith.constant 1 : i32
      %select_n3A_1605 = arith.select %eq3A_1603, %jit3A_1604, %jit3A_1601 : i32
      %rem3A_1606 = arith.remsi %add3A_1576, %select_n3A_1605 : i32
      %ne3A_1607 = arith.constant 0 : i32
      %ne3A_1608 = arith.cmpi ne, %rem3A_1606, %ne3A_1607 : i32
      %lt3A_1609 = arith.constant 0 : i32
      %lt3A_1610 = arith.cmpi slt, %rem3A_1606, %lt3A_1609 : i32
      %lt3A_1611 = arith.constant 0 : i32
      %lt3A_1612 = arith.cmpi slt, %select_n3A_1605, %lt3A_1611 : i32
      %ne3A_1613 = arith.xori %lt3A_1610, %lt3A_1612 : i1
      %and3A_1614 = arith.andi %ne3A_1613, %ne3A_1608 : i1
      %add3A_1615 = arith.addi %rem3A_1606, %select_n3A_1605 : i32
      %select_n3A_1616 = arith.select %and3A_1614, %add3A_1615, %rem3A_1606 : i32
      %mul3A_1617 = arith.constant 64 : i32
      %mul3A_1618 = arith.muli %select_n3A_1616, %mul3A_1617 : i32
      %mul3A_1619 = arith.constant 4096 : i32
      %mul3A_1620 = arith.muli %select_n3A_1600, %mul3A_1619 : i32
      %add3A_1621 = arith.addi %mul3A_1620, %mul3A_2 : i32
      %add3A_1622 = arith.addi %add3A_1621, %mul3A_1618 : i32
      %dma_start3A_1623 = arith.constant 0 : i32
      %dma_start3A_1624 = tpu.memref_slice %arg4[%add3A_1622, %dma_start3A_1623] : memref<204800x128xf32, #tpu.memory_space<hbm>> -> memref<64x128xf32, #tpu.memory_space<hbm>>
      %dma_start3A_1625 = arith.constant 0 : i32
      %dma_start3A_1626 = tpu.memref_slice %arg4[%add3A_1622, %dma_start3A_1625] : memref<204800x128xf32, #tpu.memory_space<hbm>> -> memref<64x128xf32, #tpu.memory_space<hbm>>
      tpu.enqueue_dma source(%arg15 : memref<64x128xf32, #tpu.memory_space<vmem>>) target(%dma_start3A_1626 : memref<64x128xf32, #tpu.memory_space<hbm>>) target_semaphore(%arg35 : memref<!tpu.dma_semaphore, #tpu.memory_space<semaphore_mem>>)
      %add3A_1627 = arith.constant 9 : i32
      %add3A_1628 = arith.addi %add3A_80, %add3A_1627 : i32
      %jit3A_1629 = arith.constant 2 : i32
      %div3A_1630 = arith.divsi %add3A_1628, %jit3A_1629 : i32
      %sign3A_1631 = arith.constant 0 : i32
      %sign3A_1632 = arith.cmpi sgt, %add3A_1628, %sign3A_1631 : i32
      %sign3A_1633 = arith.extui %sign3A_1632 : i1 to i32
      %sign3A_1634 = arith.constant 0 : i32
      %sign3A_1635 = arith.cmpi slt, %add3A_1628, %sign3A_1634 : i32
      %sign3A_1636 = arith.extui %sign3A_1635 : i1 to i32
      %sign3A_1637 = arith.subi %sign3A_1633, %sign3A_1636 : i32
      %sign3A_1638 = arith.constant 0 : i32
      %sign3A_1639 = arith.cmpi sgt, %jit3A_1629, %sign3A_1638 : i32
      %sign3A_1640 = arith.extui %sign3A_1639 : i1 to i32
      %sign3A_1641 = arith.constant 0 : i32
      %sign3A_1642 = arith.cmpi slt, %jit3A_1629, %sign3A_1641 : i32
      %sign3A_1643 = arith.extui %sign3A_1642 : i1 to i32
      %sign3A_1644 = arith.subi %sign3A_1640, %sign3A_1643 : i32
      %ne3A_1645 = arith.cmpi ne, %sign3A_1637, %sign3A_1644 : i32
      %rem3A_1646 = arith.remsi %add3A_1628, %jit3A_1629 : i32
      %ne3A_1647 = arith.constant 0 : i32
      %ne3A_1648 = arith.cmpi ne, %rem3A_1646, %ne3A_1647 : i32
      %and3A_1649 = arith.andi %ne3A_1645, %ne3A_1648 : i1
      %sub3A_1650 = arith.constant 1 : i32
      %sub3A_1651 = arith.subi %div3A_1630, %sub3A_1650 : i32
      %select_n3A_1652 = arith.select %and3A_1649, %sub3A_1651, %div3A_1630 : i32
      %jit3A_1653 = arith.constant 2 : i32
      %eq3A_1654 = arith.constant 0 : i32
      %eq3A_1655 = arith.cmpi eq, %jit3A_1653, %eq3A_1654 : i32
      %jit3A_1656 = arith.constant 1 : i32
      %select_n3A_1657 = arith.select %eq3A_1655, %jit3A_1656, %jit3A_1653 : i32
      %rem3A_1658 = arith.remsi %add3A_1628, %select_n3A_1657 : i32
      %ne3A_1659 = arith.constant 0 : i32
      %ne3A_1660 = arith.cmpi ne, %rem3A_1658, %ne3A_1659 : i32
      %lt3A_1661 = arith.constant 0 : i32
      %lt3A_1662 = arith.cmpi slt, %rem3A_1658, %lt3A_1661 : i32
      %lt3A_1663 = arith.constant 0 : i32
      %lt3A_1664 = arith.cmpi slt, %select_n3A_1657, %lt3A_1663 : i32
      %ne3A_1665 = arith.xori %lt3A_1662, %lt3A_1664 : i1
      %and3A_1666 = arith.andi %ne3A_1665, %ne3A_1660 : i1
      %add3A_1667 = arith.addi %rem3A_1658, %select_n3A_1657 : i32
      %select_n3A_1668 = arith.select %and3A_1666, %add3A_1667, %rem3A_1658 : i32
      %mul3A_1669 = arith.constant 64 : i32
      %mul3A_1670 = arith.muli %select_n3A_1668, %mul3A_1669 : i32
      %mul3A_1671 = arith.constant 4096 : i32
      %mul3A_1672 = arith.muli %select_n3A_1652, %mul3A_1671 : i32
      %add3A_1673 = arith.addi %mul3A_1672, %mul3A_2 : i32
      %add3A_1674 = arith.addi %add3A_1673, %mul3A_1670 : i32
      %dma_wait3A_1675 = arith.constant 0 : i32
      %dma_wait3A_1676 = tpu.memref_slice %arg4[%add3A_1674, %dma_wait3A_1675] : memref<204800x128xf32, #tpu.memory_space<hbm>> -> memref<64x128xf32, #tpu.memory_space<hbm>>
      %dma_wait3A_1677 = arith.constant 0 : i32
      %dma_wait3A_1678 = tpu.memref_slice %arg4[%add3A_1674, %dma_wait3A_1677] : memref<204800x128xf32, #tpu.memory_space<hbm>> -> memref<64x128xf32, #tpu.memory_space<hbm>>
      tpu.wait_dma2 semaphore(%arg35 : memref<!tpu.dma_semaphore, #tpu.memory_space<semaphore_mem>>) src(%arg15 : memref<64x128xf32, #tpu.memory_space<vmem>>) dst(%dma_wait3A_1678 : memref<64x128xf32, #tpu.memory_space<hbm>>)
      %add3A_1679 = arith.constant 9 : i32
      %add3A_1680 = arith.addi %add3A_80, %add3A_1679 : i32
      %add3A_1681 = arith.constant 10 : i32
      %add3A_1682 = arith.addi %add3A_1680, %add3A_1681 : i32
      %lt3A_1683 = arith.constant 100 : i32
      %lt3A_1684 = arith.cmpi slt, %add3A_1682, %lt3A_1683 : i32
      %convert_element_type3A_1685 = arith.extui %lt3A_1684 : i1 to i32
      %cond3A_1686 = arith.constant 0 : i32
      %cond3A_1687 = arith.cmpi ne, %convert_element_type3A_1685, %cond3A_1686 : i32
      scf.if %cond3A_1687 {
        %add3A_1688 = arith.constant 9 : i32
        %add3A_1689 = arith.addi %add3A_80, %add3A_1688 : i32
        %add3A_1690 = arith.constant 10 : i32
        %add3A_1691 = arith.addi %add3A_1689, %add3A_1690 : i32
        %jit3A_1692 = arith.constant 2 : i32
        %div3A_1693 = arith.divsi %add3A_1691, %jit3A_1692 : i32
        %sign3A_1694 = arith.constant 0 : i32
        %sign3A_1695 = arith.cmpi sgt, %add3A_1691, %sign3A_1694 : i32
        %sign3A_1696 = arith.extui %sign3A_1695 : i1 to i32
        %sign3A_1697 = arith.constant 0 : i32
        %sign3A_1698 = arith.cmpi slt, %add3A_1691, %sign3A_1697 : i32
        %sign3A_1699 = arith.extui %sign3A_1698 : i1 to i32
        %sign3A_1700 = arith.subi %sign3A_1696, %sign3A_1699 : i32
        %sign3A_1701 = arith.constant 0 : i32
        %sign3A_1702 = arith.cmpi sgt, %jit3A_1692, %sign3A_1701 : i32
        %sign3A_1703 = arith.extui %sign3A_1702 : i1 to i32
        %sign3A_1704 = arith.constant 0 : i32
        %sign3A_1705 = arith.cmpi slt, %jit3A_1692, %sign3A_1704 : i32
        %sign3A_1706 = arith.extui %sign3A_1705 : i1 to i32
        %sign3A_1707 = arith.subi %sign3A_1703, %sign3A_1706 : i32
        %ne3A_1708 = arith.cmpi ne, %sign3A_1700, %sign3A_1707 : i32
        %rem3A_1709 = arith.remsi %add3A_1691, %jit3A_1692 : i32
        %ne3A_1710 = arith.constant 0 : i32
        %ne3A_1711 = arith.cmpi ne, %rem3A_1709, %ne3A_1710 : i32
        %and3A_1712 = arith.andi %ne3A_1708, %ne3A_1711 : i1
        %sub3A_1713 = arith.constant 1 : i32
        %sub3A_1714 = arith.subi %div3A_1693, %sub3A_1713 : i32
        %select_n3A_1715 = arith.select %and3A_1712, %sub3A_1714, %div3A_1693 : i32
        %jit3A_1716 = arith.constant 2 : i32
        %eq3A_1717 = arith.constant 0 : i32
        %eq3A_1718 = arith.cmpi eq, %jit3A_1716, %eq3A_1717 : i32
        %jit3A_1719 = arith.constant 1 : i32
        %select_n3A_1720 = arith.select %eq3A_1718, %jit3A_1719, %jit3A_1716 : i32
        %rem3A_1721 = arith.remsi %add3A_1691, %select_n3A_1720 : i32
        %ne3A_1722 = arith.constant 0 : i32
        %ne3A_1723 = arith.cmpi ne, %rem3A_1721, %ne3A_1722 : i32
        %lt3A_1724 = arith.constant 0 : i32
        %lt3A_1725 = arith.cmpi slt, %rem3A_1721, %lt3A_1724 : i32
        %lt3A_1726 = arith.constant 0 : i32
        %lt3A_1727 = arith.cmpi slt, %select_n3A_1720, %lt3A_1726 : i32
        %ne3A_1728 = arith.xori %lt3A_1725, %lt3A_1727 : i1
        %and3A_1729 = arith.andi %ne3A_1728, %ne3A_1723 : i1
        %add3A_1730 = arith.addi %rem3A_1721, %select_n3A_1720 : i32
        %select_n3A_1731 = arith.select %and3A_1729, %add3A_1730, %rem3A_1721 : i32
        %mul3A_1732 = arith.constant 64 : i32
        %mul3A_1733 = arith.muli %select_n3A_1731, %mul3A_1732 : i32
        %dma_start3A_1734 = tpu.memref_slice %arg5[%select_n3A_1715, %mul3A_1733] : memref<50x128xi32, #tpu.memory_space<vmem>> -> memref<1x64xi32, #tpu.memory_space<vmem>>
        %dma_start3A_1735 = tpu.memref_squeeze %dma_start3A_1734 : memref<1x64xi32, #tpu.memory_space<vmem>> -> memref<64xi32, #tpu.memory_space<vmem>>
        %dma_start3A_1736 = arith.constant 0 : i32
        %dma_start3A_1737 = arith.constant 0 : i32
        %dma_start3A_1738 = tpu.memref_slice %arg2[%dma_start3A_1736, %dma_start3A_1737] : memref<100000x128xf32, #tpu.memory_space<hbm>> -> memref<100000x128xf32, #tpu.memory_space<hbm>>
        tpu.enqueue_indirect_dma source(%dma_start3A_1738 : memref<100000x128xf32, #tpu.memory_space<hbm>>) target(%arg15 : memref<64x128xf32, #tpu.memory_space<vmem>>) offsets(%dma_start3A_1735 : memref<64xi32, #tpu.memory_space<vmem>>) semaphore(%arg25 : memref<!tpu.dma_semaphore, #tpu.memory_space<semaphore_mem>>)
      } else {
      }
    }
    %scan3A_75 = arith.constant 10 : i32
    return
  }
}

</mosaic_0001>

<sc_bundles>
// kernel: kernel.3.cloned.1.call-start
scs
__scs_entry_jumppad:
0x0: {  	(pc) =	sbr.rel $0x88, $3  }
0x1: {  	(tag) =	ssettag $0x0;
	lr =	simm.s32 $0x1  }
0x2: {  	[smem:$0x3F9F] =	sst lr;
	_ =	strace $0xD0000000  }
0x3: {  	_ = 	snop  }
0x4: {  	_ = 	snop  }
0x5: {  	_ = 	snop  }
0x6: {  	_ = 	snop  }
0x7: {  	_ = 	snop  }
__scs_overlays_trampoline_lowered:
0x8: {  	[smem:$0x3FAE] =	sst s0  }
0x9: {  	[smem:$0x3FAF] =	sst s1  }
0xa: {  	[smem:$0x3FB0] =	sst s2  }
0xb: {  	[smem:$0x3FB1] =	sst s3  }
0xc: {  	[smem:$0x3FB2] =	sst s4  }
0xd: {  	[smem:$0x3FB3] =	sst s5  }
0xe: {  	[smem:$0x3FB4] =	sst s6  }
0xf: {  	[smem:$0x3FB5] =	sst s7  }
0x10: {  	[smem:$0x3FB6] =	sst s8  }
0x11: {  	[smem:$0x3FB7] =	sst s9;
	s0 =	simm.s32 @!p0 $0x0  }
0x12: {  	s1 =	sld [smem:$0x3F9D];
	s0 =	simm.s32 @p0 $0x1  }
0x13: {  	[smem:$0x3FB8] =	sst s0;
	s0 =	simm.s32 @!p1 $0x0  }
0x14: {  	s2 =	sld [smem:$0x3F9C];
	s0 =	simm.s32 @p1 $0x1  }
0x15: {  	[smem:$0x3FB9] =	sst s0;
	s0 =	simm.s32 @!p2 $0x0  }
0x16: {  	s3 =	sld [smem:$0x3FDB];
	s0 =	simm.s32 @p2 $0x1  }
0x17: {  	s4 =	simm.s32 $0x1BF5;
	[smem:$0x3FBB] =	sst s0  }
0x18: {  	s0 =	sld [smem:$0x3F9E];
	_ =	swait.ge [sflag:s4], $0x0  }
0x19: {  	s7 =	sld [smem:$0x3F9F]  }
0x1a: {  	s8 =	sadd.s32 $0xFFFFE003, lr  }
0x1b: {  	s9 =	sadd.s32 $0xFFFFFEF7, lr;
	s5 =	simm.s32 $0xFFFFFFFF;
	p2 =	slt.u32 s8, $0xFFFFF086  }
0x1c: {  	p1 =	slt.u32 s9, $0xF7A;
	s5 =	simm.s32 @!p2 $0x0  }
0x1d: {  	s5 =	simm.s32 @p1 $0x1;
	p0 =	seq.s32 s7, s2  }
0x1e: {  	s7 =	smul.u32 @!p0 $0xF7A, s2;
	p2 =	seq.s32 @!p0 s5, $0x0  }
0x1f: {  	s9 =	smul.u32 $0xF7A, s1;
	s8 =	simm.s32 @!p0 $0x1BF5;
	p2 =	por !p2, p0  }
0x20: {  	[sflag:s8] =	ssyncset.s32 @!p0 $0xFFFFF086;
	s6 =	sadd.s32 @!p0 s3, s7;
	s7 =	simm.s32 @!p0 $0x108  }
0x21: {  	s3 =	sadd.s32 s3, s9;
	s6 =	sadd.s32 @!p0 $0x88, s6;
	s7 =	simm.s32 @p2 $0x1082  }
0x22: {  	[simem:s7], [sflag:s8] =	dma.local @!p0 [hbm:s6], $0xF7A  }
0x23: {  	s9 =	sor.u32 $0xD0000000, s2;
	s6 =	simm.s32 $0x108;
	_ =	swait.ge @!p0 [sflag:s8], $0x0  }
0x24: {  	s3 =	sadd.s32 $0x88, s3;
	s6 =	simm.s32 @!p1 $0x1082;
	[sflag:s4] =	ssyncset.s32 $0xFFFFF086  }
0x25: {  	[simem:s6], [sflag:s4] =	dma.local [hbm:s3], $0xF7A  }
0x26: {  	[smem:$0x3F9F] =	sst s1;
	(tag) =	ssettag s2;
	_ =	strace s9  }
0x27: {  	s1 =	sld [smem:$0x3FAF]  }
0x28: {  	s2 =	sld [smem:$0x3FB0]  }
0x29: {  	s4 =	sld [smem:$0x3FB2]  }
0x2a: {  	p0 =	seq.s32 s5, $0x0;
	s5 =	sld [smem:$0x3FB3]  }
0x2b: {  	s6 =	sld [smem:$0x3FB4]  }
0x2c: {  	s7 =	sld [smem:$0x3FB5]  }
0x2d: {  	s3 =	simm.s32 $0x108;
	s8 =	sld [smem:$0x3FB6]  }
0x2e: {  	s3 =	simm.s32 @!p0 $0x1082;
	s9 =	sld [smem:$0x3FB7]  }
0x2f: {  	lr =	sadd.s32 s0, s3;
	s0 =	sld [smem:$0x3FAE]  }
0x30: {  	s3 =	sld [smem:$0x3FB1]  }
0x31: {  	[smem:$0x3FBA] =	sst s10  }
0x32: {  	s10 =	sld [smem:$0x3FB8];
	_ =	sdelay $0x3  }
0x33: {  	p0 =	seq.s32 s10, $0x1;
	s10 =	sld [smem:$0x3FBA];
	_ =	sdelay $0x3  }
0x34: {  	[smem:$0x3FBA] =	sst s10  }
0x35: {  	s10 =	sld [smem:$0x3FB9];
	_ =	sdelay $0x3  }
0x36: {  	p1 =	seq.s32 s10, $0x1;
	s10 =	sld [smem:$0x3FBA];
	_ =	sdelay $0x3  }
0x37: {  	[smem:$0x3FBA] =	sst s10  }
0x38: {  	s10 =	sld [smem:$0x3FBB]  }
0x39: {  	_ = 	snop;
	(pc) =	sbr.ind lr, $3  }
0x3a: {  	_ = 	snop  }
0x3b: {  	_ = 	snop  }
0x3c: {  	p2 =	seq.s32 s10, $0x1;
	s10 =	sld [smem:$0x3FBA]  }
0x3d: {  	_ =	shalt  }
0x3e: {  	_ =	shalt  }
0x3f: {  	_ =	shalt  }
0x40: {  	_ =	shalt  }
0x41: {  	_ =	shalt  }
0x42: {  	_ =	shalt  }
0x43: {  	_ =	shalt  }
0x44: {  	_ =	shalt  }
0x45: {  	_ =	shalt  }
0x46: {  	_ =	shalt  }
0x47: {  	_ =	shalt  }
0x48: {  	_ =	shalt  }
0x49: {  	_ =	shalt  }
0x4a: {  	_ =	shalt  }
0x4b: {  	_ =	shalt  }
0x4c: {  	_ =	shalt  }
0x4d: {  	_ =	shalt  }
0x4e: {  	_ =	shalt  }
0x4f: {  	_ =	shalt  }
0x50: {  	_ =	shalt  }
0x51: {  	_ =	shalt  }
0x52: {  	_ =	shalt  }
0x53: {  	_ =	shalt  }
0x54: {  	_ =	shalt  }
0x55: {  	_ =	shalt  }
0x56: {  	_ =	shalt  }
0x57: {  	_ =	shalt  }
0x58: {  	_ =	shalt  }
0x59: {  	_ =	shalt  }
0x5a: {  	_ =	shalt  }
0x5b: {  	_ =	shalt  }
0x5c: {  	_ =	shalt  }
0x5d: {  	_ =	shalt  }
0x5e: {  	_ =	shalt  }
0x5f: {  	_ =	shalt  }
0x60: {  	_ =	shalt  }
0x61: {  	_ =	shalt  }
0x62: {  	_ =	shalt  }
0x63: {  	_ =	shalt  }
0x64: {  	_ =	shalt  }
0x65: {  	_ =	shalt  }
0x66: {  	_ =	shalt  }
0x67: {  	_ =	shalt  }
0x68: {  	_ =	shalt  }
0x69: {  	_ =	shalt  }
0x6a: {  	_ =	shalt  }
0x6b: {  	_ =	shalt  }
0x6c: {  	_ =	shalt  }
0x6d: {  	_ =	shalt  }
0x6e: {  	_ =	shalt  }
0x6f: {  	_ =	shalt  }
0x70: {  	_ =	shalt  }
0x71: {  	_ =	shalt  }
0x72: {  	_ =	shalt  }
0x73: {  	_ =	shalt  }
0x74: {  	_ =	shalt  }
0x75: {  	_ =	shalt  }
0x76: {  	_ =	shalt  }
0x77: {  	_ =	shalt  }
0x78: {  	_ =	shalt  }
0x79: {  	_ =	shalt  }
0x7a: {  	_ =	shalt  }
0x7b: {  	_ =	shalt  }
0x7c: {  	_ =	shalt  }
0x7d: {  	_ =	shalt  }
0x7e: {  	_ =	shalt  }
0x7f: {  	_ =	shalt  }
0x80: {  	_ =	shalt  }
0x81: {  	_ =	shalt  }
0x82: {  	_ =	shalt  }
0x83: {  	_ =	shalt  }
0x84: {  	_ =	shalt  }
0x85: {  	_ =	shalt  }
0x86: {  	_ =	shalt  }
0x87: {  	_ =	shalt  }
.Lfunc_end0:
.L_simem_size_0:
called_computation_lowered:
.L_overlay_start_0:
0x88: {  	s2 =	sld [smem:$0x3FD9]  }
0x89: {  	s3 =	sld [smem:$0x3FFE];
	_ =	sdelay $0x1  }
0x8a: {  	s1 =	srdreg.scid  }
0x8b: {  	s0 =	sand.u32 $0x1, s1  }
0x8c: {  	s18 =	sshll.u32 s0, $0xA;
	s2 =	sadd.s32 s3, s2  }
0x8d: {  	s2 =	sadd.s32 s2, s18  }
0x8e: {  	[smem:$0x3FC6] =	sst s2  }
0x8f: {  	_ = 	snop  }
0x90: {  	s2 =	sld [smem:$0x3FC9]  }
0x91: {  	s19 =	sld [smem:$0x3FC8]  }
0x92: {  	s4 =	sld [smem:$0x3FD0];
	(tm) =	ssettm $0x1  }
0x93: {  	s5 =	sld [smem:$0x3FFB];
	_ =	sdelay $0x3  }
0x94: {  	_ =	strace s5  }
0x95: {  	s5 =	sld [smem:$0x3FFC];
	_ =	sdelay $0x3  }
0x96: {  	_ =	strace s5  }
0x97: {  	s5 =	sld [smem:$0x3FFD];
	_ =	sdelay $0x3  }
0x98: {  	_ =	strace s5  }
0x99: {  	_ =	strace $0x8FFFFFFF  }
0x9a: {  	s20 =	sld [smem:$0x3FDB];
	_ =	sdelay $0x1  }
0x9b: {  	s6 =	simm.s32 $_scs_section_size  }
0x9c: {  	s7 =	simm.s32 $_size__tile_overlayer_lowered;
	s8 =	simm.s32 $_tile_overlayer_lowered  }
0x9d: {  	s23 =	simm.s32 $0x1BFF;
	s22 =	sshll.u32 s8, $0x1;
	s5 =	sadd.s32 s6, s20  }
0x9e: {  	s9 =	simm.s32 $0x0;
	s21 =	sshll.u32 s7, $0x1;
	s7 =	sadd.s32 s22, s5  }
0x9f: {  	[timem:s9], [sflag:s23] =	dma.local [hbm:s7], s21  }
0xa0: {  	_ =	swait.ge [sflag:s23], s21  }
0xa1: {  	s6 =	ssub.s32 $0x0, s21;
	[sflag:s23] =	ssyncset.done $0x0  }
0xa2: {  	[sflag:s23] =	ssyncadd.s32 s6;
	_ =	sdelay $0x1  }
0xa3: {  	s24 =	simm.s32 $0x1B8B  }
0xa4: {  	_ =	swait.ge [sflag:s24], $0x1  }
0xa5: {  	[sflag:s24] =	ssyncset.done $0x0  }
0xa6: {  	s25 =	simm.s32 $0x1B8E;
	[sflag:s24] =	ssyncadd.s32 $0xFFFFFFFF  }
0xa7: {  	s26 =	simm.s32 $execute0_lowered;
	[smem:$0x3FD2] =	sst s25  }
0xa8: {  	s6 =	sshll.u32 s26, $0x1;
	_ =	strace $0x80000046;
	[dreg:$0x1] =	wrdreg $0xFFFFFFFF  }
0xa9: {  	s28 =	simm.s32 $_size_execute0_lowered;
	s5 =	sadd.s32 s5, s6;
	[dreg:$0x0] =	wrdreg $0x0  }
0xaa: {  	s6 =	sshll.u32 s28, $0x1;
	[dreg:$0x2] =	wrdreg s5  }
0xab: {  	[dreg:$0x3] =	wrdreg s6  }
0xac: {  	[dreg:$0x4] =	wrdreg $0xC0  }
0xad: {  	_ =	task [dreg:s9], $0x5FFFF  }
0xae: {  	[dreg:$0x1] =	wrdreg $0xFFFFFFFF  }
0xaf: {  	[dreg:$0x0] =	wrdreg $0x60  }
0xb0: {  	[dreg:$0x2] =	wrdreg s19  }
0xb1: {  	[dreg:$0x3] =	wrdreg s2  }
0xb2: {  	[dreg:$0x4] =	wrdreg s4  }
0xb3: {  	[dreg:$0x5] =	wrdreg $0x9  }
0xb4: {  	_ =	task.clear_ibuf [dreg:s9], $0x6FFFF;
	_ =	strace $0x90000046  }
0xb5: {  	s29 =	simm.s32 $0x9;
	_ =	strace $0x80000048  }
0xb6: {  	_ =	swait.ge [sflag:s29], $0x1  }
0xb7: {  	[sflag:s29] =	ssyncadd.s32 $0xFFFFFFFF  }
0xb8: {  	_ =	strace $0x90000048  }
0xb9: {  	_ =	sfence  }
0xba: {  	s30 =	sld [smem:$0x0];
	_ =	sdelay $0x2  }
0xbb: {  	s31 =	sshll.u32 s1, $0xD;
	s1 =	sshrl.u32 s1, $0x2  }
0xbc: {  	s3 =	sand.u32 $0x4000, s31;
	s1 =	sadd.s32 s1, s30  }
0xbd: {  	s0 =	sor.u32 s3, s0;
	s1 =	sshll.u32 s1, $0x11  }
0xbe: {  	s0 =	sor.u32 s1, s0  }
0xbf: {  	s0 =	sadd.s32 $0x8F2B, s0  }
0xc0: {  	[sflag:s0] =	ssyncadd.remote.s32 $0x1  }
0xc1: {  	_ =	sfence.sel $0xFFFF  }
0xc2: {  	[dreg:$0x0] =	wrdreg $0xFFFFFFFF;
	(pc) =	sbr.abs _section_cstart, $3  }
0xc3: {  	[dreg:$0x1] =	wrdreg $0xFFFFFFFF  }
0xc4: {  	_ =	task.clear_ibuf [dreg:s9], $0x2FFFF;
	_ =	strace $0x9FFFFFFF  }
0xc5: {  	(tm) =	ssettm $0x7FFFFFFF  }
tec
execute0_lowered:
.L_overlay_start_1:
0x0: {  	(tag) =	ssettag $0x1  }
0x1: {  	s1 =	rddreg [dreg:$0x0]  }
0x2: {  	s0 =	rddreg [dreg:$0x1]  }
0x3: {  	s3 =	simm.s32 $0x0;
	s2 =	srdreg.scid;
	s9 =	stileid.u32  }
0x4: {  	s28 =	simm.s32 $0xC;
	s30 =	simm.s32 $0x3;
	s29 =	simm.s32 $0x13  }
0x5: {  	s31 =	simm.s32 $0xA;
	[smem:$0x7FF] =	sst s3;
	s2 =	sand.u32 $0x1, s2  }
0x6: {  	s6 =	sshll.u32 s9, $0x8;
	s15 =	sshll.u32 s9, $0xF;
	s19 =	sshll.u32 s9, $0xC  }
0x7: {  	s9 =	simm.s32 $0x0;
	_ =	strace $0x80000047;
	s4 =	ssub.s32 $0x2, s2  }
0x8: {  	s7 =	sshll.u32 s2, $0x7;
	s8 =	sshll.u32 s2, $0xE;
	s2 =	sshll.u32 s2, $0xB  }
0x9: {  	s5 =	sshrl.u32 s4, $0x1;
	s6 =	sor.u32 s7, s6;
	s17 =	sor.u32 s8, s15  }
0xa: {  	s2 =	sor.u32 s2, s19;
	s15 =	simm.s32 $0xE;
	s7 =	simm.s32 $0xF  }
0xb: {  	s19 =	simm.s32 $0x7;
	s4 =	ssub.s32 s4, s5;
	s16 =	sadd.s32 s0, s6  }
0xc: {  	s18 =	sor.u32 $0x200000, s17;
	[dreg:$0x7] =	wrdreg s2;
	s21 =	sor.u32 $0x180000, s17  }
0xd: {  	s22 =	sor.u32 $0x100000, s17;
	s23 =	sor.u32 $0x80000, s17;
	s0 =	sshrl.u32 s17, $0x3  }
0xe: {  	s6 =	simm.s32 $0x5;
	s17 =	simm.s32 $0x10;
	[dreg:$0x4] =	wrdreg s16  }
0xf: {  	s5 =	sadd.s32 $0x6000, s16;
	s4 =	smax.u32 s4, $0x1;
	s2 =	sshrl.u32 s21, $0x3  }
0x10: {  	s24 =	sshrl.u32 s22, $0x3;
	s25 =	sshrl.u32 s23, $0x3;
	s13 =	sor.u32 $0x400, s0  }
0x11: {  	s16 =	simm.s32 $0x13C00;
	s21 =	simm.s32 $0x1;
	s23 =	simm.s32 $0xB  }
0x12: {  	s0 =	simm.s32 $0xD;
	s22 =	simm.s32 $0x8;
	[dreg:$0x5] =	wrdreg s5  }
0x13: {  	[dreg:$0x6] =	wrdreg s4;
	s4 =	sshrl.u32 s18, $0x3;
	s2 =	sor.u32 $0x400, s2  }
.Ltmp0:
0x14: {  	s26 =	sor.u32 $0x400, s25;
	s25 =	simm.s32 $0x2;
	(pc) =	sbr.rel .LBB2_1-.Ltmp0, $4  }
0x15: {  	s5 =	simm.s32 $0x6;
	s20 =	sor.u32 $0x400, s4;
	[dreg:$0x9] =	wrdreg s2  }
0x16: {  	s2 =	sor.u32 $0x400, s24;
	[dreg:$0xb] =	wrdreg s26;
	s24 =	simm.s32 $0x12  }
0x17: {  	s26 =	simm.s32 $0x9;
	s4 =	simm.s32 $0x14;
	[dreg:$0x8] =	wrdreg s20  }
0x18: {  	[dreg:$0xa] =	wrdreg s2;
	s2 =	simm.s32 $0x4;
	s20 =	simm.s32 $0x11  }
.LBB2_4:
0x19: {  	s9 =	rddreg [dreg:$0xc]  }
0x1a: {  	s8 =	rddreg [dreg:$0x6];
	s9 =	sadd.s32 $0x1, s9  }
0x1b: {  	p0 =	sne.s32 s9, s8  }
.Ltmp1:
0x1c: {  	_ = 	snop;
	(pc) =	sbr.rel @!p0 .LBB2_5-.Ltmp1, $1  }
0x1d: {  	_ =	sdelay $0x3  }
.LBB2_1:
0x1e: {  	[dreg:$0xc] =	wrdreg s9  }
0x1f: {  	s8 =	rddreg [dreg:$0x4];
	s12 =	simm.s32 $0x400;
	s10 =	simm.s32 $0x8000  }
0x20: {  	[tilespmem:s3], [sflag:$0x15] =	stream.strided.gather [hbm4b:s8+s12], $0x1800, s10, s12, $0x38;
	[tilespmem:$0x15C00] =	vst v63  }
0x21: {  	s14 =	rddreg [dreg:$0x5];
	s18 =	simm.s32 $0x1800;
	s10 =	simm.s32 $0x15  }
0x22: {  	[tilespmem:s18], [sflag:$0x15] =	stream.linear.gather [hbm4b:s14+s3], $0x100, $0x38;
	[tilespmem:$0x15C00] =	vst v63  }
0x23: {  	_ =	swait.ge [sflag:s10], $0x1900  }
0x24: {  	[sflag:s10] =	ssyncset.done $0x0  }
0x25: {  	s11 =	simm.s32 $0x1C00;
	s8 =	simm.s32 $0x40;
	[sflag:s10] =	ssyncadd.s32 $0xFFFFE700  }
0x26: {  	[tilespmem:s11], [sflag:$0x1] =	stream.indirect.gather [hbm4b:s1+s8], $0x80, s3, s8, $0xb8;
	[tilespmem:$0x15C00] =	vst v63  }
0x27: {  	s12 =	simm.s32 $0x3C00  }
0x28: {  	[tilespmem:s12], [sflag:$0x2] =	stream.indirect.gather [hbm4b:s1+s8], $0x80, s8, s8, $0xb8;
	[tilespmem:$0x15C00] =	vst v63  }
0x29: {  	s14 =	simm.s32 $0x80;
	s18 =	simm.s32 $0x5C00  }
0x2a: {  	[tilespmem:s18], [sflag:$0x3] =	stream.indirect.gather [hbm4b:s1+s8], $0x80, s14, s8, $0xb8;
	[tilespmem:$0x15C00] =	vst v63  }
0x2b: {  	s11 =	simm.s32 $0xC0;
	s12 =	simm.s32 $0x7C00  }
0x2c: {  	[tilespmem:s12], [sflag:$0x4] =	stream.indirect.gather [hbm4b:s1+s8], $0x80, s11, s8, $0xb8;
	[tilespmem:$0x15C00] =	vst v63  }
0x2d: {  	s14 =	simm.s32 $0x100;
	s18 =	simm.s32 $0x9C00  }
0x2e: {  	[tilespmem:s18], [sflag:$0x5] =	stream.indirect.gather [hbm4b:s1+s8], $0x80, s14, s8, $0xb8;
	[tilespmem:$0x15C00] =	vst v63  }
0x2f: {  	s11 =	simm.s32 $0x140;
	s12 =	simm.s32 $0xBC00  }
0x30: {  	[tilespmem:s12], [sflag:$0x6] =	stream.indirect.gather [hbm4b:s1+s8], $0x80, s11, s8, $0xb8;
	[tilespmem:$0x15C00] =	vst v63  }
0x31: {  	s14 =	simm.s32 $0x180;
	s18 =	simm.s32 $0xDC00  }
0x32: {  	[tilespmem:s18], [sflag:$0x7] =	stream.indirect.gather [hbm4b:s1+s8], $0x80, s14, s8, $0xb8;
	[tilespmem:$0x15C00] =	vst v63  }
0x33: {  	s10 =	simm.s32 $0x1C0;
	s11 =	simm.s32 $0xFC00  }
0x34: {  	[tilespmem:s11], [sflag:$0x8] =	stream.indirect.gather [hbm4b:s1+s8], $0x80, s10, s8, $0xb8;
	[tilespmem:$0x15C00] =	vst v63  }
0x35: {  	s12 =	simm.s32 $0x200;
	s14 =	simm.s32 $0x11C00  }
0x36: {  	[tilespmem:s14], [sflag:$0x9] =	stream.indirect.gather [hbm4b:s1+s8], $0x80, s12, s8, $0xb8;
	[tilespmem:$0x15C00] =	vst v63  }
0x37: {  	s18 =	simm.s32 $0x240  }
0x38: {  	[tilespmem:s16], [sflag:$0xA] =	stream.indirect.gather [hbm4b:s1+s8], $0x80, s18, s8, $0xb8;
	[tilespmem:$0x15C00] =	vst v63  }
0x39: {  	s14 =	rddreg [dreg:$0x2];
	s18 =	simm.s32 $0x0  }
.LBB2_2:
0x3a: {  	_ =	swait.ge [sflag:s21], $0x2000  }
0x3b: {  	[sflag:s21] =	ssyncset.done $0x0;
	s8 =	rddreg [dreg:$0x7]  }
0x3c: {  	s9 =	simm.s32 $0x1C00;
	[sflag:s21] =	ssyncadd.s32 $0xFFFFE000;
	s8 =	sadd.s32 s14, s8  }
0x3d: {  	[hbm4b:s8+s3] =	stream.linear.scatter [tilespmem:s9], [sflag:$0xB], $0x2000, $0x38;
	[tilespmem:$0x15C00] =	vst v63  }
0x3e: {  	p0 =	seq.s32 s18, $0x5A00;
	_ =	swait.ge [sflag:s23], $0x2000  }
0x3f: {  	s10 =	simm.s32 @!p0 $0x40;
	s9 =	sshra.s32 @!p0 s18, $0x2;
	[sflag:s23] =	ssyncset.done $0x0  }
0x40: {  	s12 =	simm.s32 @!p0 $0x1C00;
	s11 =	sadd.s32 @!p0 $0x280, s9;
	[sflag:s23] =	ssyncadd.s32 $0xFFFFE000  }
0x41: {  	[tilespmem:s12], [sflag:$0x1] =	stream.indirect.gather @!p0 [hbm4b:s1+s10], $0x80, s11, s10, $0xb8;
	[tilespmem:$0x15C00] =	vst v63  }
0x42: {  	_ =	swait.ge [sflag:s25], $0x2000  }
0x43: {  	[sflag:s25] =	ssyncset.done $0x0  }
0x44: {  	s11 =	sadd.s32 s14, s13;
	s12 =	simm.s32 $0x3C00;
	[sflag:s25] =	ssyncadd.s32 $0xFFFFE000  }
0x45: {  	[hbm4b:s11+s3] =	stream.linear.scatter [tilespmem:s12], [sflag:$0xC], $0x2000, $0x38;
	[tilespmem:$0x15C00] =	vst v63  }
0x46: {  	_ =	swait.ge [sflag:s28], $0x2000  }
0x47: {  	[sflag:s28] =	ssyncset.done $0x0  }
0x48: {  	s11 =	sadd.s32 @!p0 $0x2C0, s9;
	s12 =	simm.s32 @!p0 $0x3C00;
	[sflag:s28] =	ssyncadd.s32 $0xFFFFE000  }
0x49: {  	[tilespmem:s12], [sflag:$0x2] =	stream.indirect.gather @!p0 [hbm4b:s1+s10], $0x80, s11, s10, $0xb8;
	[tilespmem:$0x15C00] =	vst v63  }
0x4a: {  	_ =	swait.ge [sflag:s30], $0x2000  }
0x4b: {  	[sflag:s30] =	ssyncset.done $0x0  }
0x4c: {  	s11 =	sadd.s32 $0x10000, s8;
	s12 =	simm.s32 $0x5C00;
	[sflag:s30] =	ssyncadd.s32 $0xFFFFE000  }
0x4d: {  	[hbm4b:s11+s3] =	stream.linear.scatter [tilespmem:s12], [sflag:$0xD], $0x2000, $0x38;
	[tilespmem:$0x15C00] =	vst v63  }
0x4e: {  	_ =	swait.ge [sflag:s0], $0x2000  }
0x4f: {  	[sflag:s0] =	ssyncset.done $0x0  }
0x50: {  	s11 =	sadd.s32 @!p0 $0x300, s9;
	s12 =	simm.s32 @!p0 $0x5C00;
	[sflag:s0] =	ssyncadd.s32 $0xFFFFE000  }
0x51: {  	[tilespmem:s12], [sflag:$0x3] =	stream.indirect.gather @!p0 [hbm4b:s1+s10], $0x80, s11, s10, $0xb8;
	[tilespmem:$0x15C00] =	vst v63  }
0x52: {  	_ =	swait.ge [sflag:s2], $0x2000  }
0x53: {  	[sflag:s2] =	ssyncset.done $0x0;
	s12 =	rddreg [dreg:$0xb]  }
0x54: {  	[sflag:s2] =	ssyncadd.s32 $0xFFFFE000;
	s11 =	sadd.s32 s14, s12;
	s12 =	simm.s32 $0x7C00  }
0x55: {  	[hbm4b:s11+s3] =	stream.linear.scatter [tilespmem:s12], [sflag:$0xE], $0x2000, $0x38;
	[tilespmem:$0x15C00] =	vst v63  }
0x56: {  	_ =	swait.ge [sflag:s15], $0x2000  }
0x57: {  	[sflag:s15] =	ssyncset.done $0x0  }
0x58: {  	s11 =	sadd.s32 @!p0 $0x340, s9;
	s12 =	simm.s32 @!p0 $0x7C00;
	[sflag:s15] =	ssyncadd.s32 $0xFFFFE000  }
0x59: {  	[tilespmem:s12], [sflag:$0x4] =	stream.indirect.gather @!p0 [hbm4b:s1+s10], $0x80, s11, s10, $0xb8;
	[tilespmem:$0x15C00] =	vst v63  }
0x5a: {  	_ =	swait.ge [sflag:s6], $0x2000  }
0x5b: {  	[sflag:s6] =	ssyncset.done $0x0  }
0x5c: {  	s11 =	sadd.s32 $0x20000, s8;
	s12 =	simm.s32 $0x9C00;
	[sflag:s6] =	ssyncadd.s32 $0xFFFFE000  }
0x5d: {  	[hbm4b:s11+s3] =	stream.linear.scatter [tilespmem:s12], [sflag:$0xF], $0x2000, $0x38;
	[tilespmem:$0x15C00] =	vst v63  }
0x5e: {  	_ =	swait.ge [sflag:s7], $0x2000  }
0x5f: {  	[sflag:s7] =	ssyncset.done $0x0  }
0x60: {  	s11 =	sadd.s32 @!p0 $0x380, s9;
	s12 =	simm.s32 @!p0 $0x9C00;
	[sflag:s7] =	ssyncadd.s32 $0xFFFFE000  }
0x61: {  	[tilespmem:s12], [sflag:$0x5] =	stream.indirect.gather @!p0 [hbm4b:s1+s10], $0x80, s11, s10, $0xb8;
	[tilespmem:$0x15C00] =	vst v63  }
0x62: {  	_ =	swait.ge [sflag:s5], $0x2000  }
0x63: {  	[sflag:s5] =	ssyncset.done $0x0;
	s12 =	rddreg [dreg:$0xa]  }
0x64: {  	[sflag:s5] =	ssyncadd.s32 $0xFFFFE000;
	s11 =	sadd.s32 s14, s12;
	s12 =	simm.s32 $0xBC00  }
0x65: {  	[hbm4b:s11+s3] =	stream.linear.scatter [tilespmem:s12], [sflag:$0x10], $0x2000, $0x38;
	[tilespmem:$0x15C00] =	vst v63  }
0x66: {  	_ =	swait.ge [sflag:s17], $0x2000  }
0x67: {  	[sflag:s17] =	ssyncset.done $0x0  }
0x68: {  	s11 =	sadd.s32 @!p0 $0x3C0, s9;
	s12 =	simm.s32 @!p0 $0xBC00;
	[sflag:s17] =	ssyncadd.s32 $0xFFFFE000  }
0x69: {  	[tilespmem:s12], [sflag:$0x6] =	stream.indirect.gather @!p0 [hbm4b:s1+s10], $0x80, s11, s10, $0xb8;
	[tilespmem:$0x15C00] =	vst v63  }
0x6a: {  	_ =	swait.ge [sflag:s19], $0x2000  }
0x6b: {  	[sflag:s19] =	ssyncset.done $0x0  }
0x6c: {  	s11 =	sadd.s32 $0x30000, s8;
	s12 =	simm.s32 $0xDC00;
	[sflag:s19] =	ssyncadd.s32 $0xFFFFE000  }
0x6d: {  	[hbm4b:s11+s3] =	stream.linear.scatter [tilespmem:s12], [sflag:$0x11], $0x2000, $0x38;
	[tilespmem:$0x15C00] =	vst v63  }
0x6e: {  	_ =	swait.ge [sflag:s20], $0x2000  }
0x6f: {  	[sflag:s20] =	ssyncset.done $0x0  }
0x70: {  	s11 =	sadd.s32 @!p0 $0x400, s9;
	s12 =	simm.s32 @!p0 $0xDC00;
	[sflag:s20] =	ssyncadd.s32 $0xFFFFE000  }
0x71: {  	[tilespmem:s12], [sflag:$0x7] =	stream.indirect.gather @!p0 [hbm4b:s1+s10], $0x80, s11, s10, $0xb8;
	[tilespmem:$0x15C00] =	vst v63  }
0x72: {  	_ =	swait.ge [sflag:s22], $0x2000  }
0x73: {  	[sflag:s22] =	ssyncset.done $0x0;
	s12 =	rddreg [dreg:$0x9]  }
0x74: {  	[sflag:s22] =	ssyncadd.s32 $0xFFFFE000;
	s11 =	sadd.s32 s14, s12;
	s12 =	simm.s32 $0xFC00  }
0x75: {  	[hbm4b:s11+s3] =	stream.linear.scatter [tilespmem:s12], [sflag:$0x12], $0x2000, $0x38;
	[tilespmem:$0x15C00] =	vst v63  }
0x76: {  	_ =	swait.ge [sflag:s24], $0x2000  }
0x77: {  	[sflag:s24] =	ssyncset.done $0x0  }
0x78: {  	s11 =	sadd.s32 @!p0 $0x440, s9;
	s12 =	simm.s32 @!p0 $0xFC00;
	[sflag:s24] =	ssyncadd.s32 $0xFFFFE000  }
0x79: {  	[tilespmem:s12], [sflag:$0x8] =	stream.indirect.gather @!p0 [hbm4b:s1+s10], $0x80, s11, s10, $0xb8;
	[tilespmem:$0x15C00] =	vst v63  }
0x7a: {  	_ =	swait.ge [sflag:s26], $0x2000  }
0x7b: {  	[sflag:s26] =	ssyncset.done $0x0  }
0x7c: {  	s8 =	sadd.s32 $0x40000, s8;
	s12 =	simm.s32 $0x11C00;
	[sflag:s26] =	ssyncadd.s32 $0xFFFFE000  }
0x7d: {  	[hbm4b:s8+s3] =	stream.linear.scatter [tilespmem:s12], [sflag:$0x13], $0x2000, $0x38;
	[tilespmem:$0x15C00] =	vst v63  }
0x7e: {  	_ =	swait.ge [sflag:s29], $0x2000  }
0x7f: {  	[sflag:s29] =	ssyncset.done $0x0  }
0x80: {  	s8 =	sadd.s32 @!p0 $0x480, s9;
	s9 =	simm.s32 @!p0 $0x11C00;
	[sflag:s29] =	ssyncadd.s32 $0xFFFFE000  }
0x81: {  	[tilespmem:s9], [sflag:$0x9] =	stream.indirect.gather @!p0 [hbm4b:s1+s10], $0x80, s8, s10, $0xb8;
	[tilespmem:$0x15C00] =	vst v63  }
0x82: {  	_ =	swait.ge [sflag:s31], $0x2000  }
0x83: {  	[sflag:s31] =	ssyncset.done $0x0;
	s12 =	rddreg [dreg:$0x8]  }
.Ltmp2:
0x84: {  	[sflag:s31] =	ssyncadd.s32 $0xFFFFE000;
	s8 =	sadd.s32 s14, s12;
	(pc) =	sbr.rel @p0 .LBB2_4-.Ltmp2, $4  }
0x85: {  	[hbm4b:s8+s3] =	stream.linear.scatter [tilespmem:s16], [sflag:$0x14], $0x2000, $0x38;
	[tilespmem:$0x15C00] =	vst v63  }
0x86: {  	_ =	swait.ge [sflag:s4], $0x2000  }
0x87: {  	[sflag:s4] =	ssyncset.done $0x0  }
0x88: {  	[sflag:s4] =	ssyncadd.s32 $0xFFFFE000  }
.Ltmp3:
0x89: {  	(pc) =	sbr.rel .LBB2_2-.Ltmp3, $4  }
0x8a: {  	_ = 	snop  }
0x8b: {  	s8 =	sshra.s32 s18, $0x2;
	s9 =	simm.s32 $0x40  }
0x8c: {  	s18 =	sadd.s32 $0xA00, s18;
	s14 =	sadd.s32 $0x50000, s14;
	s8 =	sadd.s32 $0x4C0, s8  }
0x8d: {  	[tilespmem:s16], [sflag:$0xA] =	stream.indirect.gather [hbm4b:s1+s9], $0x80, s8, s9, $0xb8;
	[tilespmem:$0x15C00] =	vst v63  }
.LBB2_5:
0x8e: {  	_ =	sfence.sel $0x180000  }
0x8f: {  	[bflag:$0x0] =	sbarrier.arrive $0xFFFF  }
0x90: {  	_ =	strace $0x90000047  }
0x91: {  	s0 =	stileid.u32;
	[bflag:$0x2] =	sbarrier.arrive $0xFFFF  }
0x92: {  	p0 =	sne.s32 s0, $0x0;
	s0 =	rddreg [dreg:$0x3]  }
0x93: {  	s0 =	sadd.s32 @!p0 $0x100000, s0  }
0x94: {  	[sflag:s0] =	ssyncadd.tile.s32 @!p0 $0x1;
	_ =	shalt  }
.Lfunc_end2:
_tile_overlayer_lowered:
.L_overlay_start_2:
0x95: {  	(tag) =	ssettag $0x2  }
0x96: {  	s0 =	rddreg [dreg:$0x0];
	s2 =	stileid.u32  }
0x97: {  	s1 =	rddreg [dreg:$0x1];
	p0 =	sne.s32 s2, $0x0  }
0x98: {  	s3 =	rddreg [dreg:$0x2];
	[bflag:$0x3] =	sbarrier.arrive $0xFFFF;
	s2 =	simm.s32 @!p0 $0x1C15  }
0x99: {  	[timem:s3], [sflag:s2] =	dma.local @!p0 [hbm:s0], s1  }
0x9a: {  	s0 =	simm.s32 @!p0 $0x15  }
0x9b: {  	_ =	swait.ge @!p0 [sflag:s0], s1  }
0x9c: {  	s1 =	ssub.s32 @!p0 $0x0, s1;
	[sflag:s0] =	ssyncset.done @!p0 $0x0  }
0x9d: {  	[sflag:s0] =	ssyncadd.s32 @!p0 s1  }
0x9e: {  	[bflag:$0x3] =	sbarrier.arrive $0xFFFF  }
0x9f: {  	_ =	shalt  }

</sc_bundles>
